<compile_context>
chip_gen: v7x
topology: tpu7x:2x2x1
jax: 0.10.2.dev20260603
libtpu: 0.0.44.dev20260713+nightly
codegen_flags: <defaults>
</compile_context>

<pallas_src>
import jax
import jax.numpy as jnp
from jax import lax
from jax.experimental import pallas as pl
from jax.experimental.pallas import tpu as pltpu
from jax.experimental.pallas import tpu_sc as plsc

N_NODES = 10000
F_IN = 10000
F_OUT = 5
FP = 8
NC, NS = 2, 16
NW = NC * NS
CHUNK = 2000


def _mm_body(x_ref, w_ref, degp_ref, y_ref, dinv_ref):
    xw = jnp.dot(x_ref[...], w_ref[...],
                 preferred_element_type=jnp.float32)
    deg = degp_ref[0] + degp_ref[1] + 1.0
    dinv = lax.rsqrt(deg)
    dinv_ref[...] = dinv
    y_ref[...] = jnp.concatenate(
        [xw * dinv, jnp.zeros((xw.shape[0], FP - F_OUT), jnp.float32)],
        axis=1)


def _matmul_scale(x, w, degp_r):
    m, k = x.shape
    f = w.shape[1]
    bm = 400
    return pl.pallas_call(
        _mm_body,
        grid=(m // bm,),
        in_specs=[
            pl.BlockSpec((bm, k), lambda i: (i, 0)),
            pl.BlockSpec((k, f), lambda i: (0, 0)),
            pl.BlockSpec((NC, bm, 1), lambda i: (0, i, 0)),
        ],
        out_specs=(
            pl.BlockSpec((bm, FP), lambda i: (i, 0)),
            pl.BlockSpec((bm, 1), lambda i: (i, 0)),
        ),
        out_shape=(
            jax.ShapeDtypeStruct((m, FP), jnp.float32),
            jax.ShapeDtypeStruct((m, 1), jnp.float32),
        ),
    )(x, w, degp_r)


def _hist_body(col_hbm, ones_hbm, zeros_hbm, deg_hbm, colbuf, valbuf, acc):
    cid = lax.axis_index("c")
    sid = lax.axis_index("s")
    wid = sid * NC + cid
    epw = col_hbm.shape[0] // NW

    @pl.when(sid == 0)
    def _():
        pltpu.sync_copy(zeros_hbm, acc)

    pltpu.sync_copy(col_hbm.at[pl.ds(wid * epw, epw)], colbuf)
    pltpu.sync_copy(ones_hbm, valbuf)
    plsc.subcore_barrier()
    pltpu.sync_copy(valbuf, acc.at[colbuf], add=True)
    plsc.subcore_barrier()

    @pl.when(sid == 0)
    def _():
        pltpu.sync_copy(acc, deg_hbm.at[cid])


def _hist(col, ones_c, zeros_n):
    epw = col.shape[0] // NW
    kfn = pl.kernel(
        _hist_body,
        out_type=jax.ShapeDtypeStruct((NC, N_NODES), jnp.float32),
        mesh=plsc.VectorSubcoreMesh(core_axis_name="c", subcore_axis_name="s",
                                    num_cores=NC, num_subcores=NS),
        compiler_params=pltpu.CompilerParams(use_tc_tiling_on_sc=False,
                                             needs_layout_passes=False),
        scratch_types=[
            pltpu.VMEM((epw,), jnp.int32),
            pltpu.VMEM((epw,), jnp.float32),
            pltpu.VMEM_SHARED((N_NODES,), jnp.float32),
        ],
    )
    return kfn(col, ones_c, zeros_n)


def _edge1_body(row_hbm, col_hbm, y_hbm, zeros_hbm, out_hbm,
                rowbuf, colbuf, rows, acc, sem0, sem1):
    cid = lax.axis_index("c")
    sid = lax.axis_index("s")
    wid = sid * NC + cid
    epw = row_hbm.shape[0] // NW
    nchunks = epw // CHUNK
    sems = (sem0, sem1)

    @pl.when(sid == 0)
    def _():
        pltpu.sync_copy(zeros_hbm, acc)

    plsc.subcore_barrier()

    def load_idx(j, b):
        base = wid * epw + j * CHUNK
        pltpu.sync_copy(row_hbm.at[pl.ds(base, CHUNK)], rowbuf.at[b])
        pltpu.sync_copy(col_hbm.at[pl.ds(base, CHUNK)], colbuf.at[b])

    load_idx(0, 0)
    gathers = [pltpu.async_copy(y_hbm.at[rowbuf.at[0]], rows.at[0], sems[0])]
    for j in range(nchunks):
        b = j % 2
        nb = (j + 1) % 2
        if j + 1 < nchunks:
            load_idx(j + 1, nb)
            gathers.append(
                pltpu.async_copy(y_hbm.at[rowbuf.at[nb]], rows.at[nb],
                                 sems[nb]))
        gathers[j].wait()
        pltpu.sync_copy(rows.at[b], acc.at[colbuf.at[b]], add=True)
    plsc.subcore_barrier()

    @pl.when(sid == 0)
    def _():
        pltpu.sync_copy(acc, out_hbm.at[cid])


def _edge1(row, col, y, zeros_n16):
    kfn = pl.kernel(
        _edge1_body,
        out_type=jax.ShapeDtypeStruct((NC, N_NODES, FP), jnp.float32),
        mesh=plsc.VectorSubcoreMesh(core_axis_name="c", subcore_axis_name="s",
                                    num_cores=NC, num_subcores=NS),
        compiler_params=pltpu.CompilerParams(use_tc_tiling_on_sc=False,
                                             needs_layout_passes=False),
        scratch_types=[
            pltpu.VMEM((2, CHUNK), jnp.int32),
            pltpu.VMEM((2, CHUNK), jnp.int32),
            pltpu.VMEM((2, CHUNK, FP), jnp.float32),
            pltpu.VMEM_SHARED((N_NODES, FP), jnp.float32),
            pltpu.SemaphoreType.DMA,
            pltpu.SemaphoreType.DMA,
        ],
    )
    return kfn(row, col, y, zeros_n16)


def _mid_body(p1_ref, y_ref, dinv_ref, b1p_ref, w2p_ref, u_ref):
    s = p1_ref[0] + p1_ref[1] + y_ref[...]
    dinv = dinv_ref[...]
    h = jnp.maximum(s * dinv + b1p_ref[...], 0.0)
    xw2 = jnp.sum(h * w2p_ref[...], axis=1, keepdims=True)
    u_ref[...] = xw2 * dinv


def _mid(p1, y, dinv, b1p, w2p):
    return pl.pallas_call(
        _mid_body,
        out_shape=jax.ShapeDtypeStruct((N_NODES, 1), jnp.float32),
    )(p1, y, dinv, b1p, w2p)


def _edge2_body(row_hbm, col_hbm, u_hbm, zeros_hbm, out_hbm,
                rowbuf, colbuf, vals, u_local, acc):
    cid = lax.axis_index("c")
    sid = lax.axis_index("s")
    wid = sid * NC + cid
    epw = row_hbm.shape[0] // NW

    @pl.when(sid == 0)
    def _():
        pltpu.sync_copy(zeros_hbm, acc)

    pltpu.sync_copy(u_hbm, u_local)
    pltpu.sync_copy(row_hbm.at[pl.ds(wid * epw, epw)], rowbuf)
    pltpu.sync_copy(col_hbm.at[pl.ds(wid * epw, epw)], colbuf)

    def body(i, carry):
        idx = rowbuf[pl.ds(i * 16, 16)]
        vals[pl.ds(i * 16, 16)] = plsc.load_gather(u_local, [idx])
        return carry

    lax.fori_loop(0, epw // 16, body, 0)
    plsc.subcore_barrier()
    pltpu.sync_copy(vals, acc.at[colbuf], add=True)
    plsc.subcore_barrier()

    @pl.when(sid == 0)
    def _():
        pltpu.sync_copy(acc, out_hbm.at[cid])


def _edge2(row, col, u_flat, zeros_n):
    epw = row.shape[0] // NW
    kfn = pl.kernel(
        _edge2_body,
        out_type=jax.ShapeDtypeStruct((NC, N_NODES), jnp.float32),
        mesh=plsc.VectorSubcoreMesh(core_axis_name="c", subcore_axis_name="s",
                                    num_cores=NC, num_subcores=NS),
        compiler_params=pltpu.CompilerParams(use_tc_tiling_on_sc=False,
                                             needs_layout_passes=False),
        scratch_types=[
            pltpu.VMEM((epw,), jnp.int32),
            pltpu.VMEM((epw,), jnp.int32),
            pltpu.VMEM((epw,), jnp.float32),
            pltpu.VMEM((N_NODES,), jnp.float32),
            pltpu.VMEM_SHARED((N_NODES,), jnp.float32),
        ],
    )
    return kfn(row, col, u_flat, zeros_n)


def _final_body(p2_ref, u_ref, dinv_ref, b2_ref, o_ref):
    seg = p2_ref[0] + p2_ref[1]
    z = dinv_ref[...] * (seg + u_ref[...]) + b2_ref[...]
    m = jnp.max(z, axis=1, keepdims=True)
    lse = m + jnp.log(jnp.sum(jnp.exp(z - m), axis=1, keepdims=True))
    o_ref[...] = z - lse


def _final(p2, u, dinv, b2):
    return pl.pallas_call(
        _final_body,
        out_shape=jax.ShapeDtypeStruct((N_NODES, 1), jnp.float32),
    )(p2, u, dinv, b2)


def kernel(x, edge_index, W1, b1, W2, b2):
    row = edge_index[0].astype(jnp.int32)
    col = edge_index[1].astype(jnp.int32)

    ones_c = jnp.ones((row.shape[0] // NW,), jnp.float32)
    zeros_n = jnp.zeros((N_NODES,), jnp.float32)
    zeros_n16 = jnp.zeros((N_NODES, FP), jnp.float32)
    b1p = jnp.zeros((1, FP), jnp.float32).at[0, :F_OUT].set(b1)
    w2p = jnp.zeros((1, FP), jnp.float32).at[0, :F_OUT].set(W2[:, 0])

    degp = _hist(col, ones_c, zeros_n)
    y, dinv = _matmul_scale(x, W1,
                            degp.reshape(NC, N_NODES, 1))
    p1 = _edge1(row, col, y, zeros_n16)
    u = _mid(p1, y, dinv, b1p, w2p)
    p2 = _edge2(row, col, u.reshape(N_NODES), zeros_n)
    out = _final(p2.reshape(NC, N_NODES, 1), u, dinv,
                 b2.reshape(1, 1))
    return out

# --- scband reference (transcript-rebuilt; emitter-appended) ---
"""Pipeline reference for scband-social-stgcn-46462956208716 (READ-ONLY COPY).

The authoritative reference and input builder live on the scoring server;
editing this copy changes nothing except your own understanding.
"""

import jax, jax.numpy as jnp
import numpy as np

N = 10000
E = 320000
INPUT_FEAT = 10000
OUT_FEAT = 5


def setup_inputs(seed: int = 0) -> dict:
    key = jax.random.key(seed)
    k_x, k_ei0, k_ei1, k_w1, k_b1, k_w2, k_b2 = jax.random.split(key, 7)
    x = jax.random.normal(k_x, (N, INPUT_FEAT), dtype=jnp.float32)
    src = jax.random.randint(k_ei0, (E,), 0, N, dtype=jnp.int64)
    dst = jax.random.randint(k_ei1, (E,), 0, N, dtype=jnp.int64)
    edge_index = jnp.stack([src, dst], axis=0)
    # GCNConv(in=input_feat, out=output_feat) params (glorot-ish scale)
    W1 = jax.random.normal(k_w1, (INPUT_FEAT, OUT_FEAT), dtype=jnp.float32) / np.sqrt(INPUT_FEAT)
    b1 = jnp.zeros((OUT_FEAT,), dtype=jnp.float32)
    # GCNConv(in=output_feat, out=1) params
    W2 = jax.random.normal(k_w2, (OUT_FEAT, 1), dtype=jnp.float32) / np.sqrt(OUT_FEAT)
    b2 = jnp.zeros((1,), dtype=jnp.float32)
    return {"x": x, "edge_index": edge_index, "W1": W1, "b1": b1, "W2": W2, "b2": b2}


def _gcn_conv(x, edge_index, W, b):
    # Faithful PyG GCNConv: add self-loops, symmetric normalization,
    # out = D^{-1/2}(A+I)D^{-1/2} (x @ W) + b
    n = x.shape[0]
    xw = x @ W
    row = edge_index[0]
    col = edge_index[1]
    loop = jnp.arange(n, dtype=row.dtype)
    row = jnp.concatenate([row, loop], axis=0)
    col = jnp.concatenate([col, loop], axis=0)
    deg = jax.ops.segment_sum(jnp.ones(row.shape[0], dtype=xw.dtype), col, num_segments=n)
    dinv = jnp.where(deg > 0, 1.0 / jnp.sqrt(deg), 0.0)
    norm = dinv[row] * dinv[col]
    msgs = jnp.take(xw, row, axis=0) * norm[:, None]
    out = jax.ops.segment_sum(msgs, col, num_segments=n)
    return out + b


def reference(x, edge_index, W1, b1, W2, b2):
    # pad rows up to input_feat (here x.rows == input_feat -> empty pad, faithful to torch.cat)
    pad = jnp.zeros((INPUT_FEAT - x.shape[0], x.shape[1]), dtype=x.dtype)
    x = jnp.concatenate([x, pad], axis=0)
    x = _gcn_conv(x, edge_index, W1, b1)
    x = jax.nn.relu(x)
    # F.dropout(x, training=self.training): identity in eval mode
    x = _gcn_conv(x, edge_index, W2, b2)
    return jax.nn.log_softmax(x, axis=1)

if __name__ == "__main__":
    import jax
    _d = setup_inputs()
    print(jax.jit(kernel)(*tuple(_d.values())))

</pallas_src>

<mosaic_0001>
#map = affine_map<(d0, d1) -> (0)>
#map1 = affine_map<(d0, d1) -> (0, 0)>
module attributes {stable_mosaic.version = 14 : i64} {
  func.func @_hist_body(%arg0: i32, %arg1: i32, %arg2: memref<320000xi32, #tpu.memory_space<hbm>>, %arg3: memref<10000xf32, #tpu.memory_space<hbm>>, %arg4: memref<10000xf32, #tpu.memory_space<hbm>>, %arg5: memref<2x10000xf32, #tpu.memory_space<hbm>>, %arg6: memref<10000xi32, #tpu.memory_space<vmem>>, %arg7: memref<10000xf32, #tpu.memory_space<vmem>>, %arg8: memref<10000xf32, #tpu.memory_space<vmem_shared>>) attributes {dimension_semantics = [#tpu.dimension_semantics<core_parallel>, #tpu.dimension_semantics<subcore_parallel>], iteration_bounds = array<i64: 2, 16>, scalar_prefetch = 0 : i64, scratch_operands = 3 : i64, tpu.core_type = #tpu.core_type<sc_vector_subcore>, window_params = [{transform_indices = #map}, {transform_indices = #map}, {transform_indices = #map}, {transform_indices = #map1}]} {
    %mul3A = arith.constant 2 : i32
    %mul3A_0 = arith.muli %arg1, %mul3A : i32
    %add3A = arith.addi %mul3A_0, %arg0 : i32
    %eq3A = arith.constant 0 : i32
    %eq3A_1 = arith.cmpi eq, %arg1, %eq3A : i32
    %convert_element_type3A = arith.extui %eq3A_1 : i1 to i32
    %cond3A = arith.constant 0 : i32
    %cond3A_2 = arith.cmpi ne, %convert_element_type3A, %cond3A : i32
    scf.if %cond3A_2 {
      "tpu.region"() ({
        %run_scoped3A = tpu.sem_alloc : memref<!tpu.dma_semaphore, #tpu.memory_space<semaphore_mem>>
        tpu.enqueue_dma source(%arg4 : memref<10000xf32, #tpu.memory_space<hbm>>) target(%arg8 : memref<10000xf32, #tpu.memory_space<vmem_shared>>) target_semaphore(%run_scoped3A : memref<!tpu.dma_semaphore, #tpu.memory_space<semaphore_mem>>)
        tpu.wait_dma2 semaphore(%run_scoped3A : memref<!tpu.dma_semaphore, #tpu.memory_space<semaphore_mem>>) src(%arg4 : memref<10000xf32, #tpu.memory_space<hbm>>) dst(%arg8 : memref<10000xf32, #tpu.memory_space<vmem_shared>>)
        tpu.yield
      }) : () -> ()
    } else {
    }
    %mul3A_3 = arith.constant 10000 : i32
    %mul3A_4 = arith.muli %add3A, %mul3A_3 : i32
    "tpu.region"() ({
      %run_scoped3A = tpu.sem_alloc : memref<!tpu.dma_semaphore, #tpu.memory_space<semaphore_mem>>
      %dma_start3A = tpu.memref_slice %arg2[%mul3A_4] : memref<320000xi32, #tpu.memory_space<hbm>> -> memref<10000xi32, #tpu.memory_space<hbm>>
      %dma_start3A_11 = tpu.memref_slice %arg2[%mul3A_4] : memref<320000xi32, #tpu.memory_space<hbm>> -> memref<10000xi32, #tpu.memory_space<hbm>>
      tpu.enqueue_dma source(%dma_start3A_11 : memref<10000xi32, #tpu.memory_space<hbm>>) target(%arg6 : memref<10000xi32, #tpu.memory_space<vmem>>) target_semaphore(%run_scoped3A : memref<!tpu.dma_semaphore, #tpu.memory_space<semaphore_mem>>)
      %dma_wait3A = tpu.memref_slice %arg2[%mul3A_4] : memref<320000xi32, #tpu.memory_space<hbm>> -> memref<10000xi32, #tpu.memory_space<hbm>>
      %dma_wait3A_12 = tpu.memref_slice %arg2[%mul3A_4] : memref<320000xi32, #tpu.memory_space<hbm>> -> memref<10000xi32, #tpu.memory_space<hbm>>
      tpu.wait_dma2 semaphore(%run_scoped3A : memref<!tpu.dma_semaphore, #tpu.memory_space<semaphore_mem>>) src(%dma_wait3A_12 : memref<10000xi32, #tpu.memory_space<hbm>>) dst(%arg6 : memref<10000xi32, #tpu.memory_space<vmem>>)
      tpu.yield
    }) : () -> ()
    "tpu.region"() ({
      %run_scoped3A = tpu.sem_alloc : memref<!tpu.dma_semaphore, #tpu.memory_space<semaphore_mem>>
      tpu.enqueue_dma source(%arg3 : memref<10000xf32, #tpu.memory_space<hbm>>) target(%arg7 : memref<10000xf32, #tpu.memory_space<vmem>>) target_semaphore(%run_scoped3A : memref<!tpu.dma_semaphore, #tpu.memory_space<semaphore_mem>>)
      tpu.wait_dma2 semaphore(%run_scoped3A : memref<!tpu.dma_semaphore, #tpu.memory_space<semaphore_mem>>) src(%arg3 : memref<10000xf32, #tpu.memory_space<hbm>>) dst(%arg7 : memref<10000xf32, #tpu.memory_space<vmem>>)
      tpu.yield
    }) : () -> ()
    %barrier3A = arith.constant 0 : index
    tpu.barrier barrier_id(%barrier3A)
    "tpu.region"() ({
      %run_scoped3A = tpu.sem_alloc : memref<!tpu.dma_semaphore, #tpu.memory_space<semaphore_mem>>
      %dma_start3A = arith.constant 0 : i32
      %dma_start3A_11 = tpu.memref_slice %arg8[%dma_start3A] : memref<10000xf32, #tpu.memory_space<vmem_shared>> -> memref<10000xf32, #tpu.memory_space<vmem_shared>>
      tpu.enqueue_indirect_dma source(%arg7 : memref<10000xf32, #tpu.memory_space<vmem>>) target(%dma_start3A_11 : memref<10000xf32, #tpu.memory_space<vmem_shared>>) offsets(%arg6 : memref<10000xi32, #tpu.memory_space<vmem>>) semaphore(%run_scoped3A : memref<!tpu.dma_semaphore, #tpu.memory_space<semaphore_mem>>) {add = true}
      %dma_wait3A = arith.constant 0 : i32
      %dma_wait3A_12 = tpu.memref_slice %arg8[%dma_wait3A] : memref<10000xf32, #tpu.memory_space<vmem_shared>> -> memref<10000xf32, #tpu.memory_space<vmem_shared>>
      tpu.wait_indirect_dma semaphore(%run_scoped3A : memref<!tpu.dma_semaphore, #tpu.memory_space<semaphore_mem>>) src(%arg7 : memref<10000xf32, #tpu.memory_space<vmem>>) dst(%dma_wait3A_12 : memref<10000xf32, #tpu.memory_space<vmem_shared>>)
      tpu.yield
    }) : () -> ()
    %barrier3A_5 = arith.constant 0 : index
    tpu.barrier barrier_id(%barrier3A_5)
    %eq3A_6 = arith.constant 0 : i32
    %eq3A_7 = arith.cmpi eq, %arg1, %eq3A_6 : i32
    %convert_element_type3A_8 = arith.extui %eq3A_7 : i1 to i32
    %cond3A_9 = arith.constant 0 : i32
    %cond3A_10 = arith.cmpi ne, %convert_element_type3A_8, %cond3A_9 : i32
    scf.if %cond3A_10 {
      "tpu.region"() ({
        %run_scoped3A = tpu.sem_alloc : memref<!tpu.dma_semaphore, #tpu.memory_space<semaphore_mem>>
        %dma_start3A = arith.constant 0 : i32
        %dma_start3A_11 = tpu.memref_slice %arg5[%arg0, %dma_start3A] : memref<2x10000xf32, #tpu.memory_space<hbm>> -> memref<1x10000xf32, #tpu.memory_space<hbm>>
        %dma_start3A_12 = tpu.memref_squeeze %dma_start3A_11 : memref<1x10000xf32, #tpu.memory_space<hbm>> -> memref<10000xf32, #tpu.memory_space<hbm>>
        tpu.enqueue_dma source(%arg8 : memref<10000xf32, #tpu.memory_space<vmem_shared>>) target(%dma_start3A_12 : memref<10000xf32, #tpu.memory_space<hbm>>) target_semaphore(%run_scoped3A : memref<!tpu.dma_semaphore, #tpu.memory_space<semaphore_mem>>)
        %dma_wait3A = arith.constant 0 : i32
        %dma_wait3A_13 = tpu.memref_slice %arg5[%arg0, %dma_wait3A] : memref<2x10000xf32, #tpu.memory_space<hbm>> -> memref<1x10000xf32, #tpu.memory_space<hbm>>
        %dma_wait3A_14 = tpu.memref_squeeze %dma_wait3A_13 : memref<1x10000xf32, #tpu.memory_space<hbm>> -> memref<10000xf32, #tpu.memory_space<hbm>>
        tpu.wait_dma2 semaphore(%run_scoped3A : memref<!tpu.dma_semaphore, #tpu.memory_space<semaphore_mem>>) src(%arg8 : memref<10000xf32, #tpu.memory_space<vmem_shared>>) dst(%dma_wait3A_14 : memref<10000xf32, #tpu.memory_space<hbm>>)
        tpu.yield
      }) : () -> ()
    } else {
    }
    return
  }
}

#map = affine_map<(d0, d1) -> (0)>
#map1 = affine_map<(d0, d1) -> (0, 0)>
module attributes {stable_mosaic.version = 14 : i64} {
  func.func @_edge2_body(%arg0: i32, %arg1: i32, %arg2: memref<320000xi32, #tpu.memory_space<hbm>>, %arg3: memref<320000xi32, #tpu.memory_space<hbm>>, %arg4: memref<10000xf32, #tpu.memory_space<hbm>>, %arg5: memref<10000xf32, #tpu.memory_space<hbm>>, %arg6: memref<2x10000xf32, #tpu.memory_space<hbm>>, %arg7: memref<10000xi32, #tpu.memory_space<vmem>>, %arg8: memref<10000xi32, #tpu.memory_space<vmem>>, %arg9: memref<10000xf32, #tpu.memory_space<vmem>>, %arg10: memref<10000xf32, #tpu.memory_space<vmem>>, %arg11: memref<10000xf32, #tpu.memory_space<vmem_shared>>) attributes {dimension_semantics = [#tpu.dimension_semantics<core_parallel>, #tpu.dimension_semantics<subcore_parallel>], iteration_bounds = array<i64: 2, 16>, scalar_prefetch = 0 : i64, scratch_operands = 5 : i64, tpu.core_type = #tpu.core_type<sc_vector_subcore>, window_params = [{transform_indices = #map}, {transform_indices = #map}, {transform_indices = #map}, {transform_indices = #map}, {transform_indices = #map1}]} {
    %mul3A = arith.constant 2 : i32
    %mul3A_0 = arith.muli %arg1, %mul3A : i32
    %add3A = arith.addi %mul3A_0, %arg0 : i32
    %eq3A = arith.constant 0 : i32
    %eq3A_1 = arith.cmpi eq, %arg1, %eq3A : i32
    %convert_element_type3A = arith.extui %eq3A_1 : i1 to i32
    %cond3A = arith.constant 0 : i32
    %cond3A_2 = arith.cmpi ne, %convert_element_type3A, %cond3A : i32
    scf.if %cond3A_2 {
      "tpu.region"() ({
        %run_scoped3A = tpu.sem_alloc : memref<!tpu.dma_semaphore, #tpu.memory_space<semaphore_mem>>
        tpu.enqueue_dma source(%arg5 : memref<10000xf32, #tpu.memory_space<hbm>>) target(%arg11 : memref<10000xf32, #tpu.memory_space<vmem_shared>>) target_semaphore(%run_scoped3A : memref<!tpu.dma_semaphore, #tpu.memory_space<semaphore_mem>>)
        tpu.wait_dma2 semaphore(%run_scoped3A : memref<!tpu.dma_semaphore, #tpu.memory_space<semaphore_mem>>) src(%arg5 : memref<10000xf32, #tpu.memory_space<hbm>>) dst(%arg11 : memref<10000xf32, #tpu.memory_space<vmem_shared>>)
        tpu.yield
      }) : () -> ()
    } else {
    }
    "tpu.region"() ({
      %run_scoped3A = tpu.sem_alloc : memref<!tpu.dma_semaphore, #tpu.memory_space<semaphore_mem>>
      tpu.enqueue_dma source(%arg4 : memref<10000xf32, #tpu.memory_space<hbm>>) target(%arg10 : memref<10000xf32, #tpu.memory_space<vmem>>) target_semaphore(%run_scoped3A : memref<!tpu.dma_semaphore, #tpu.memory_space<semaphore_mem>>)
      tpu.wait_dma2 semaphore(%run_scoped3A : memref<!tpu.dma_semaphore, #tpu.memory_space<semaphore_mem>>) src(%arg4 : memref<10000xf32, #tpu.memory_space<hbm>>) dst(%arg10 : memref<10000xf32, #tpu.memory_space<vmem>>)
      tpu.yield
    }) : () -> ()
    %mul3A_3 = arith.constant 10000 : i32
    %mul3A_4 = arith.muli %add3A, %mul3A_3 : i32
    "tpu.region"() ({
      %run_scoped3A = tpu.sem_alloc : memref<!tpu.dma_semaphore, #tpu.memory_space<semaphore_mem>>
      %dma_start3A = tpu.memref_slice %arg2[%mul3A_4] : memref<320000xi32, #tpu.memory_space<hbm>> -> memref<10000xi32, #tpu.memory_space<hbm>>
      %dma_start3A_18 = tpu.memref_slice %arg2[%mul3A_4] : memref<320000xi32, #tpu.memory_space<hbm>> -> memref<10000xi32, #tpu.memory_space<hbm>>
      tpu.enqueue_dma source(%dma_start3A_18 : memref<10000xi32, #tpu.memory_space<hbm>>) target(%arg7 : memref<10000xi32, #tpu.memory_space<vmem>>) target_semaphore(%run_scoped3A : memref<!tpu.dma_semaphore, #tpu.memory_space<semaphore_mem>>)
      %dma_wait3A = tpu.memref_slice %arg2[%mul3A_4] : memref<320000xi32, #tpu.memory_space<hbm>> -> memref<10000xi32, #tpu.memory_space<hbm>>
      %dma_wait3A_19 = tpu.memref_slice %arg2[%mul3A_4] : memref<320000xi32, #tpu.memory_space<hbm>> -> memref<10000xi32, #tpu.memory_space<hbm>>
      tpu.wait_dma2 semaphore(%run_scoped3A : memref<!tpu.dma_semaphore, #tpu.memory_space<semaphore_mem>>) src(%dma_wait3A_19 : memref<10000xi32, #tpu.memory_space<hbm>>) dst(%arg7 : memref<10000xi32, #tpu.memory_space<vmem>>)
      tpu.yield
    }) : () -> ()
    %mul3A_5 = arith.constant 10000 : i32
    %mul3A_6 = arith.muli %add3A, %mul3A_5 : i32
    "tpu.region"() ({
      %run_scoped3A = tpu.sem_alloc : memref<!tpu.dma_semaphore, #tpu.memory_space<semaphore_mem>>
      %dma_start3A = tpu.memref_slice %arg3[%mul3A_6] : memref<320000xi32, #tpu.memory_space<hbm>> -> memref<10000xi32, #tpu.memory_space<hbm>>
      %dma_start3A_18 = tpu.memref_slice %arg3[%mul3A_6] : memref<320000xi32, #tpu.memory_space<hbm>> -> memref<10000xi32, #tpu.memory_space<hbm>>
      tpu.enqueue_dma source(%dma_start3A_18 : memref<10000xi32, #tpu.memory_space<hbm>>) target(%arg8 : memref<10000xi32, #tpu.memory_space<vmem>>) target_semaphore(%run_scoped3A : memref<!tpu.dma_semaphore, #tpu.memory_space<semaphore_mem>>)
      %dma_wait3A = tpu.memref_slice %arg3[%mul3A_6] : memref<320000xi32, #tpu.memory_space<hbm>> -> memref<10000xi32, #tpu.memory_space<hbm>>
      %dma_wait3A_19 = tpu.memref_slice %arg3[%mul3A_6] : memref<320000xi32, #tpu.memory_space<hbm>> -> memref<10000xi32, #tpu.memory_space<hbm>>
      tpu.wait_dma2 semaphore(%run_scoped3A : memref<!tpu.dma_semaphore, #tpu.memory_space<semaphore_mem>>) src(%dma_wait3A_19 : memref<10000xi32, #tpu.memory_space<hbm>>) dst(%arg8 : memref<10000xi32, #tpu.memory_space<vmem>>)
      tpu.yield
    }) : () -> ()
    %scan3A = arith.constant 0 : i32
    %scan3A_7 = arith.constant 0 : i32
    %scan3A_8 = arith.constant 625 : i32
    %scan3A_9 = arith.addi %scan3A_7, %scan3A_8 : i32
    %scan3A_10 = arith.constant 1 : i32
    scf.for %scan3A_18 = %scan3A_7 to %scan3A_9 step %scan3A_10  : i32 {
      %mul3A_19 = arith.constant 16 : i32
      %mul3A_20 = arith.muli %scan3A_18, %mul3A_19 : i32
      %get3A = arith.index_cast %mul3A_20 : i32 to index
      %get3A_21 = tpu.vector_load %arg7[%get3A] {strides = array<i32>} : memref<10000xi32, #tpu.memory_space<vmem>>, vector<16xi32>,
      %gather3A = tpu.vector_load_idx %arg10[%get3A_21] : memref<10000xf32, #tpu.memory_space<vmem>>[vector<16xi32>], vector<16xf32>,
      %mul3A_22 = arith.constant 16 : i32
      %mul3A_23 = arith.muli %scan3A_18, %mul3A_22 : i32
      %swap3A = arith.index_cast %mul3A_23 : i32 to index
      %swap3A_24 = tpu.vector_load %arg9[%swap3A] {strides = array<i32>} : memref<10000xf32, #tpu.memory_space<vmem>>, vector<16xf32>,
      tpu.vector_store %arg9[%swap3A], %gather3A {strides = array<i32>} : memref<10000xf32, #tpu.memory_space<vmem>>, vector<16xf32>,
    }
    %scan3A_11 = arith.constant 625 : i32
    %barrier3A = arith.constant 0 : index
    tpu.barrier barrier_id(%barrier3A)
    "tpu.region"() ({
      %run_scoped3A = tpu.sem_alloc : memref<!tpu.dma_semaphore, #tpu.memory_space<semaphore_mem>>
      %dma_start3A = arith.constant 0 : i32
      %dma_start3A_18 = tpu.memref_slice %arg11[%dma_start3A] : memref<10000xf32, #tpu.memory_space<vmem_shared>> -> memref<10000xf32, #tpu.memory_space<vmem_shared>>
      tpu.enqueue_indirect_dma source(%arg9 : memref<10000xf32, #tpu.memory_space<vmem>>) target(%dma_start3A_18 : memref<10000xf32, #tpu.memory_space<vmem_shared>>) offsets(%arg8 : memref<10000xi32, #tpu.memory_space<vmem>>) semaphore(%run_scoped3A : memref<!tpu.dma_semaphore, #tpu.memory_space<semaphore_mem>>) {add = true}
      %dma_wait3A = arith.constant 0 : i32
      %dma_wait3A_19 = tpu.memref_slice %arg11[%dma_wait3A] : memref<10000xf32, #tpu.memory_space<vmem_shared>> -> memref<10000xf32, #tpu.memory_space<vmem_shared>>
      tpu.wait_indirect_dma semaphore(%run_scoped3A : memref<!tpu.dma_semaphore, #tpu.memory_space<semaphore_mem>>) src(%arg9 : memref<10000xf32, #tpu.memory_space<vmem>>) dst(%dma_wait3A_19 : memref<10000xf32, #tpu.memory_space<vmem_shared>>)
      tpu.yield
    }) : () -> ()
    %barrier3A_12 = arith.constant 0 : index
    tpu.barrier barrier_id(%barrier3A_12)
    %eq3A_13 = arith.constant 0 : i32
    %eq3A_14 = arith.cmpi eq, %arg1, %eq3A_13 : i32
    %convert_element_type3A_15 = arith.extui %eq3A_14 : i1 to i32
    %cond3A_16 = arith.constant 0 : i32
    %cond3A_17 = arith.cmpi ne, %convert_element_type3A_15, %cond3A_16 : i32
    scf.if %cond3A_17 {
      "tpu.region"() ({
        %run_scoped3A = tpu.sem_alloc : memref<!tpu.dma_semaphore, #tpu.memory_space<semaphore_mem>>
        %dma_start3A = arith.constant 0 : i32
        %dma_start3A_18 = tpu.memref_slice %arg6[%arg0, %dma_start3A] : memref<2x10000xf32, #tpu.memory_space<hbm>> -> memref<1x10000xf32, #tpu.memory_space<hbm>>
        %dma_start3A_19 = tpu.memref_squeeze %dma_start3A_18 : memref<1x10000xf32, #tpu.memory_space<hbm>> -> memref<10000xf32, #tpu.memory_space<hbm>>
        tpu.enqueue_dma source(%arg11 : memref<10000xf32, #tpu.memory_space<vmem_shared>>) target(%dma_start3A_19 : memref<10000xf32, #tpu.memory_space<hbm>>) target_semaphore(%run_scoped3A : memref<!tpu.dma_semaphore, #tpu.memory_space<semaphore_mem>>)
        %dma_wait3A = arith.constant 0 : i32
        %dma_wait3A_20 = tpu.memref_slice %arg6[%arg0, %dma_wait3A] : memref<2x10000xf32, #tpu.memory_space<hbm>> -> memref<1x10000xf32, #tpu.memory_space<hbm>>
        %dma_wait3A_21 = tpu.memref_squeeze %dma_wait3A_20 : memref<1x10000xf32, #tpu.memory_space<hbm>> -> memref<10000xf32, #tpu.memory_space<hbm>>
        tpu.wait_dma2 semaphore(%run_scoped3A : memref<!tpu.dma_semaphore, #tpu.memory_space<semaphore_mem>>) src(%arg11 : memref<10000xf32, #tpu.memory_space<vmem_shared>>) dst(%dma_wait3A_21 : memref<10000xf32, #tpu.memory_space<hbm>>)
        tpu.yield
      }) : () -> ()
    } else {
    }
    return
  }
}

#map = affine_map<(d0, d1) -> (0)>
#map1 = affine_map<(d0, d1) -> (0, 0)>
#map2 = affine_map<(d0, d1) -> (0, 0, 0)>
module attributes {stable_mosaic.version = 14 : i64} {
  func.func @_edge1_body(%arg0: i32, %arg1: i32, %arg2: memref<320000xi32, #tpu.memory_space<hbm>>, %arg3: memref<320000xi32, #tpu.memory_space<hbm>>, %arg4: memref<10000x8xf32, #tpu.memory_space<hbm>>, %arg5: memref<10000x8xf32, #tpu.memory_space<hbm>>, %arg6: memref<2x10000x8xf32, #tpu.memory_space<hbm>>, %arg7: memref<2x2000xi32, #tpu.memory_space<vmem>>, %arg8: memref<2x2000xi32, #tpu.memory_space<vmem>>, %arg9: memref<2x2000x8xf32, #tpu.memory_space<vmem>>, %arg10: memref<10000x8xf32, #tpu.memory_space<vmem_shared>>, %arg11: memref<!tpu.dma_semaphore, #tpu.memory_space<semaphore_mem>>, %arg12: memref<!tpu.dma_semaphore, #tpu.memory_space<semaphore_mem>>) attributes {dimension_semantics = [#tpu.dimension_semantics<core_parallel>, #tpu.dimension_semantics<subcore_parallel>], iteration_bounds = array<i64: 2, 16>, scalar_prefetch = 0 : i64, scratch_operands = 6 : i64, tpu.core_type = #tpu.core_type<sc_vector_subcore>, window_params = [{transform_indices = #map}, {transform_indices = #map}, {transform_indices = #map1}, {transform_indices = #map1}, {transform_indices = #map2}]} {
    %mul3A = arith.constant 2 : i32
    %mul3A_0 = arith.muli %arg1, %mul3A : i32
    %add3A = arith.addi %mul3A_0, %arg0 : i32
    %eq3A = arith.constant 0 : i32
    %eq3A_1 = arith.cmpi eq, %arg1, %eq3A : i32
    %convert_element_type3A = arith.extui %eq3A_1 : i1 to i32
    %cond3A = arith.constant 0 : i32
    %cond3A_2 = arith.cmpi ne, %convert_element_type3A, %cond3A : i32
    scf.if %cond3A_2 {
      "tpu.region"() ({
        %run_scoped3A_166 = tpu.sem_alloc : memref<!tpu.dma_semaphore, #tpu.memory_space<semaphore_mem>>
        tpu.enqueue_dma source(%arg5 : memref<10000x8xf32, #tpu.memory_space<hbm>>) target(%arg10 : memref<10000x8xf32, #tpu.memory_space<vmem_shared>>) target_semaphore(%run_scoped3A_166 : memref<!tpu.dma_semaphore, #tpu.memory_space<semaphore_mem>>)
        tpu.wait_dma2 semaphore(%run_scoped3A_166 : memref<!tpu.dma_semaphore, #tpu.memory_space<semaphore_mem>>) src(%arg5 : memref<10000x8xf32, #tpu.memory_space<hbm>>) dst(%arg10 : memref<10000x8xf32, #tpu.memory_space<vmem_shared>>)
        tpu.yield
      }) : () -> ()
    } else {
    }
    %barrier3A = arith.constant 0 : index
    tpu.barrier barrier_id(%barrier3A)
    %mul3A_3 = arith.constant 10000 : i32
    %mul3A_4 = arith.muli %add3A, %mul3A_3 : i32
    %add3A_5 = arith.constant 0 : i32
    %add3A_6 = arith.addi %mul3A_4, %add3A_5 : i32
    %run_scoped3A = arith.constant 0 : i32
    "tpu.region"() ({
      %run_scoped3A_166 = tpu.sem_alloc : memref<!tpu.dma_semaphore, #tpu.memory_space<semaphore_mem>>
      %dma_start3A_167 = arith.constant 0 : i32
      %dma_start3A_168 = tpu.memref_slice %arg7[%run_scoped3A, %dma_start3A_167] : memref<2x2000xi32, #tpu.memory_space<vmem>> -> memref<1x2000xi32, #tpu.memory_space<vmem>>
      %dma_start3A_169 = tpu.memref_squeeze %dma_start3A_168 : memref<1x2000xi32, #tpu.memory_space<vmem>> -> memref<2000xi32, #tpu.memory_space<vmem>>
      %dma_start3A_170 = tpu.memref_slice %arg2[%add3A_6] : memref<320000xi32, #tpu.memory_space<hbm>> -> memref<2000xi32, #tpu.memory_space<hbm>>
      %dma_start3A_171 = arith.constant 0 : i32
      %dma_start3A_172 = tpu.memref_slice %arg7[%run_scoped3A, %dma_start3A_171] : memref<2x2000xi32, #tpu.memory_space<vmem>> -> memref<1x2000xi32, #tpu.memory_space<vmem>>
      %dma_start3A_173 = tpu.memref_squeeze %dma_start3A_172 : memref<1x2000xi32, #tpu.memory_space<vmem>> -> memref<2000xi32, #tpu.memory_space<vmem>>
      %dma_start3A_174 = tpu.memref_slice %arg2[%add3A_6] : memref<320000xi32, #tpu.memory_space<hbm>> -> memref<2000xi32, #tpu.memory_space<hbm>>
      tpu.enqueue_dma source(%dma_start3A_174 : memref<2000xi32, #tpu.memory_space<hbm>>) target(%dma_start3A_173 : memref<2000xi32, #tpu.memory_space<vmem>>) target_semaphore(%run_scoped3A_166 : memref<!tpu.dma_semaphore, #tpu.memory_space<semaphore_mem>>)
      %dma_wait3A_175 = arith.constant 0 : i32
      %dma_wait3A_176 = tpu.memref_slice %arg7[%run_scoped3A, %dma_wait3A_175] : memref<2x2000xi32, #tpu.memory_space<vmem>> -> memref<1x2000xi32, #tpu.memory_space<vmem>>
      %dma_wait3A_177 = tpu.memref_squeeze %dma_wait3A_176 : memref<1x2000xi32, #tpu.memory_space<vmem>> -> memref<2000xi32, #tpu.memory_space<vmem>>
      %dma_wait3A_178 = tpu.memref_slice %arg2[%add3A_6] : memref<320000xi32, #tpu.memory_space<hbm>> -> memref<2000xi32, #tpu.memory_space<hbm>>
      %dma_wait3A_179 = arith.constant 0 : i32
      %dma_wait3A_180 = tpu.memref_slice %arg7[%run_scoped3A, %dma_wait3A_179] : memref<2x2000xi32, #tpu.memory_space<vmem>> -> memref<1x2000xi32, #tpu.memory_space<vmem>>
      %dma_wait3A_181 = tpu.memref_squeeze %dma_wait3A_180 : memref<1x2000xi32, #tpu.memory_space<vmem>> -> memref<2000xi32, #tpu.memory_space<vmem>>
      %dma_wait3A_182 = tpu.memref_slice %arg2[%add3A_6] : memref<320000xi32, #tpu.memory_space<hbm>> -> memref<2000xi32, #tpu.memory_space<hbm>>
      tpu.wait_dma2 semaphore(%run_scoped3A_166 : memref<!tpu.dma_semaphore, #tpu.memory_space<semaphore_mem>>) src(%dma_wait3A_182 : memref<2000xi32, #tpu.memory_space<hbm>>) dst(%dma_wait3A_181 : memref<2000xi32, #tpu.memory_space<vmem>>)
      tpu.yield
    }) : () -> ()
    %run_scoped3A_7 = arith.constant 0 : i32
    "tpu.region"() ({
      %run_scoped3A_166 = tpu.sem_alloc : memref<!tpu.dma_semaphore, #tpu.memory_space<semaphore_mem>>
      %dma_start3A_167 = arith.constant 0 : i32
      %dma_start3A_168 = tpu.memref_slice %arg8[%run_scoped3A_7, %dma_start3A_167] : memref<2x2000xi32, #tpu.memory_space<vmem>> -> memref<1x2000xi32, #tpu.memory_space<vmem>>
      %dma_start3A_169 = tpu.memref_squeeze %dma_start3A_168 : memref<1x2000xi32, #tpu.memory_space<vmem>> -> memref<2000xi32, #tpu.memory_space<vmem>>
      %dma_start3A_170 = tpu.memref_slice %arg3[%add3A_6] : memref<320000xi32, #tpu.memory_space<hbm>> -> memref<2000xi32, #tpu.memory_space<hbm>>
      %dma_start3A_171 = arith.constant 0 : i32
      %dma_start3A_172 = tpu.memref_slice %arg8[%run_scoped3A_7, %dma_start3A_171] : memref<2x2000xi32, #tpu.memory_space<vmem>> -> memref<1x2000xi32, #tpu.memory_space<vmem>>
      %dma_start3A_173 = tpu.memref_squeeze %dma_start3A_172 : memref<1x2000xi32, #tpu.memory_space<vmem>> -> memref<2000xi32, #tpu.memory_space<vmem>>
      %dma_start3A_174 = tpu.memref_slice %arg3[%add3A_6] : memref<320000xi32, #tpu.memory_space<hbm>> -> memref<2000xi32, #tpu.memory_space<hbm>>
      tpu.enqueue_dma source(%dma_start3A_174 : memref<2000xi32, #tpu.memory_space<hbm>>) target(%dma_start3A_173 : memref<2000xi32, #tpu.memory_space<vmem>>) target_semaphore(%run_scoped3A_166 : memref<!tpu.dma_semaphore, #tpu.memory_space<semaphore_mem>>)
      %dma_wait3A_175 = arith.constant 0 : i32
      %dma_wait3A_176 = tpu.memref_slice %arg8[%run_scoped3A_7, %dma_wait3A_175] : memref<2x2000xi32, #tpu.memory_space<vmem>> -> memref<1x2000xi32, #tpu.memory_space<vmem>>
      %dma_wait3A_177 = tpu.memref_squeeze %dma_wait3A_176 : memref<1x2000xi32, #tpu.memory_space<vmem>> -> memref<2000xi32, #tpu.memory_space<vmem>>
      %dma_wait3A_178 = tpu.memref_slice %arg3[%add3A_6] : memref<320000xi32, #tpu.memory_space<hbm>> -> memref<2000xi32, #tpu.memory_space<hbm>>
      %dma_wait3A_179 = arith.constant 0 : i32
      %dma_wait3A_180 = tpu.memref_slice %arg8[%run_scoped3A_7, %dma_wait3A_179] : memref<2x2000xi32, #tpu.memory_space<vmem>> -> memref<1x2000xi32, #tpu.memory_space<vmem>>
      %dma_wait3A_181 = tpu.memref_squeeze %dma_wait3A_180 : memref<1x2000xi32, #tpu.memory_space<vmem>> -> memref<2000xi32, #tpu.memory_space<vmem>>
      %dma_wait3A_182 = tpu.memref_slice %arg3[%add3A_6] : memref<320000xi32, #tpu.memory_space<hbm>> -> memref<2000xi32, #tpu.memory_space<hbm>>
      tpu.wait_dma2 semaphore(%run_scoped3A_166 : memref<!tpu.dma_semaphore, #tpu.memory_space<semaphore_mem>>) src(%dma_wait3A_182 : memref<2000xi32, #tpu.memory_space<hbm>>) dst(%dma_wait3A_181 : memref<2000xi32, #tpu.memory_space<vmem>>)
      tpu.yield
    }) : () -> ()
    %dma_start3A = arith.constant 0 : i32
    %dma_start3A_8 = arith.constant 0 : i32
    %dma_start3A_9 = arith.constant 0 : i32
    %dma_start3A_10 = arith.constant 0 : i32
    %dma_start3A_11 = tpu.memref_slice %arg9[%dma_start3A_8, %dma_start3A_9, %dma_start3A_10] : memref<2x2000x8xf32, #tpu.memory_space<vmem>> -> memref<1x2000x8xf32, #tpu.memory_space<vmem>>
    %dma_start3A_12 = tpu.memref_squeeze %dma_start3A_11 : memref<1x2000x8xf32, #tpu.memory_space<vmem>> -> memref<2000x8xf32, #tpu.memory_space<vmem>>
    %dma_start3A_13 = arith.constant 0 : i32
    %dma_start3A_14 = tpu.memref_slice %arg7[%dma_start3A, %dma_start3A_13] : memref<2x2000xi32, #tpu.memory_space<vmem>> -> memref<1x2000xi32, #tpu.memory_space<vmem>>
    %dma_start3A_15 = tpu.memref_squeeze %dma_start3A_14 : memref<1x2000xi32, #tpu.memory_space<vmem>> -> memref<2000xi32, #tpu.memory_space<vmem>>
    %dma_start3A_16 = arith.constant 0 : i32
    %dma_start3A_17 = arith.constant 0 : i32
    %dma_start3A_18 = tpu.memref_slice %arg4[%dma_start3A_16, %dma_start3A_17] : memref<10000x8xf32, #tpu.memory_space<hbm>> -> memref<10000x8xf32, #tpu.memory_space<hbm>>
    tpu.enqueue_indirect_dma source(%dma_start3A_18 : memref<10000x8xf32, #tpu.memory_space<hbm>>) target(%dma_start3A_12 : memref<2000x8xf32, #tpu.memory_space<vmem>>) offsets(%dma_start3A_15 : memref<2000xi32, #tpu.memory_space<vmem>>) semaphore(%arg11 : memref<!tpu.dma_semaphore, #tpu.memory_space<semaphore_mem>>)
    %mul3A_19 = arith.constant 10000 : i32
    %mul3A_20 = arith.muli %add3A, %mul3A_19 : i32
    %add3A_21 = arith.constant 2000 : i32
    %add3A_22 = arith.addi %mul3A_20, %add3A_21 : i32
    %run_scoped3A_23 = arith.constant 1 : i32
    "tpu.region"() ({
      %run_scoped3A_166 = tpu.sem_alloc : memref<!tpu.dma_semaphore, #tpu.memory_space<semaphore_mem>>
      %dma_start3A_167 = arith.constant 0 : i32
      %dma_start3A_168 = tpu.memref_slice %arg7[%run_scoped3A_23, %dma_start3A_167] : memref<2x2000xi32, #tpu.memory_space<vmem>> -> memref<1x2000xi32, #tpu.memory_space<vmem>>
      %dma_start3A_169 = tpu.memref_squeeze %dma_start3A_168 : memref<1x2000xi32, #tpu.memory_space<vmem>> -> memref<2000xi32, #tpu.memory_space<vmem>>
      %dma_start3A_170 = tpu.memref_slice %arg2[%add3A_22] : memref<320000xi32, #tpu.memory_space<hbm>> -> memref<2000xi32, #tpu.memory_space<hbm>>
      %dma_start3A_171 = arith.constant 0 : i32
      %dma_start3A_172 = tpu.memref_slice %arg7[%run_scoped3A_23, %dma_start3A_171] : memref<2x2000xi32, #tpu.memory_space<vmem>> -> memref<1x2000xi32, #tpu.memory_space<vmem>>
      %dma_start3A_173 = tpu.memref_squeeze %dma_start3A_172 : memref<1x2000xi32, #tpu.memory_space<vmem>> -> memref<2000xi32, #tpu.memory_space<vmem>>
      %dma_start3A_174 = tpu.memref_slice %arg2[%add3A_22] : memref<320000xi32, #tpu.memory_space<hbm>> -> memref<2000xi32, #tpu.memory_space<hbm>>
      tpu.enqueue_dma source(%dma_start3A_174 : memref<2000xi32, #tpu.memory_space<hbm>>) target(%dma_start3A_173 : memref<2000xi32, #tpu.memory_space<vmem>>) target_semaphore(%run_scoped3A_166 : memref<!tpu.dma_semaphore, #tpu.memory_space<semaphore_mem>>)
      %dma_wait3A_175 = arith.constant 0 : i32
      %dma_wait3A_176 = tpu.memref_slice %arg7[%run_scoped3A_23, %dma_wait3A_175] : memref<2x2000xi32, #tpu.memory_space<vmem>> -> memref<1x2000xi32, #tpu.memory_space<vmem>>
      %dma_wait3A_177 = tpu.memref_squeeze %dma_wait3A_176 : memref<1x2000xi32, #tpu.memory_space<vmem>> -> memref<2000xi32, #tpu.memory_space<vmem>>
      %dma_wait3A_178 = tpu.memref_slice %arg2[%add3A_22] : memref<320000xi32, #tpu.memory_space<hbm>> -> memref<2000xi32, #tpu.memory_space<hbm>>
      %dma_wait3A_179 = arith.constant 0 : i32
      %dma_wait3A_180 = tpu.memref_slice %arg7[%run_scoped3A_23, %dma_wait3A_179] : memref<2x2000xi32, #tpu.memory_space<vmem>> -> memref<1x2000xi32, #tpu.memory_space<vmem>>
      %dma_wait3A_181 = tpu.memref_squeeze %dma_wait3A_180 : memref<1x2000xi32, #tpu.memory_space<vmem>> -> memref<2000xi32, #tpu.memory_space<vmem>>
      %dma_wait3A_182 = tpu.memref_slice %arg2[%add3A_22] : memref<320000xi32, #tpu.memory_space<hbm>> -> memref<2000xi32, #tpu.memory_space<hbm>>
      tpu.wait_dma2 semaphore(%run_scoped3A_166 : memref<!tpu.dma_semaphore, #tpu.memory_space<semaphore_mem>>) src(%dma_wait3A_182 : memref<2000xi32, #tpu.memory_space<hbm>>) dst(%dma_wait3A_181 : memref<2000xi32, #tpu.memory_space<vmem>>)
      tpu.yield
    }) : () -> ()
    %run_scoped3A_24 = arith.constant 1 : i32
    "tpu.region"() ({
      %run_scoped3A_166 = tpu.sem_alloc : memref<!tpu.dma_semaphore, #tpu.memory_space<semaphore_mem>>
      %dma_start3A_167 = arith.constant 0 : i32
      %dma_start3A_168 = tpu.memref_slice %arg8[%run_scoped3A_24, %dma_start3A_167] : memref<2x2000xi32, #tpu.memory_space<vmem>> -> memref<1x2000xi32, #tpu.memory_space<vmem>>
      %dma_start3A_169 = tpu.memref_squeeze %dma_start3A_168 : memref<1x2000xi32, #tpu.memory_space<vmem>> -> memref<2000xi32, #tpu.memory_space<vmem>>
      %dma_start3A_170 = tpu.memref_slice %arg3[%add3A_22] : memref<320000xi32, #tpu.memory_space<hbm>> -> memref<2000xi32, #tpu.memory_space<hbm>>
      %dma_start3A_171 = arith.constant 0 : i32
      %dma_start3A_172 = tpu.memref_slice %arg8[%run_scoped3A_24, %dma_start3A_171] : memref<2x2000xi32, #tpu.memory_space<vmem>> -> memref<1x2000xi32, #tpu.memory_space<vmem>>
      %dma_start3A_173 = tpu.memref_squeeze %dma_start3A_172 : memref<1x2000xi32, #tpu.memory_space<vmem>> -> memref<2000xi32, #tpu.memory_space<vmem>>
      %dma_start3A_174 = tpu.memref_slice %arg3[%add3A_22] : memref<320000xi32, #tpu.memory_space<hbm>> -> memref<2000xi32, #tpu.memory_space<hbm>>
      tpu.enqueue_dma source(%dma_start3A_174 : memref<2000xi32, #tpu.memory_space<hbm>>) target(%dma_start3A_173 : memref<2000xi32, #tpu.memory_space<vmem>>) target_semaphore(%run_scoped3A_166 : memref<!tpu.dma_semaphore, #tpu.memory_space<semaphore_mem>>)
      %dma_wait3A_175 = arith.constant 0 : i32
      %dma_wait3A_176 = tpu.memref_slice %arg8[%run_scoped3A_24, %dma_wait3A_175] : memref<2x2000xi32, #tpu.memory_space<vmem>> -> memref<1x2000xi32, #tpu.memory_space<vmem>>
      %dma_wait3A_177 = tpu.memref_squeeze %dma_wait3A_176 : memref<1x2000xi32, #tpu.memory_space<vmem>> -> memref<2000xi32, #tpu.memory_space<vmem>>
      %dma_wait3A_178 = tpu.memref_slice %arg3[%add3A_22] : memref<320000xi32, #tpu.memory_space<hbm>> -> memref<2000xi32, #tpu.memory_space<hbm>>
      %dma_wait3A_179 = arith.constant 0 : i32
      %dma_wait3A_180 = tpu.memref_slice %arg8[%run_scoped3A_24, %dma_wait3A_179] : memref<2x2000xi32, #tpu.memory_space<vmem>> -> memref<1x2000xi32, #tpu.memory_space<vmem>>
      %dma_wait3A_181 = tpu.memref_squeeze %dma_wait3A_180 : memref<1x2000xi32, #tpu.memory_space<vmem>> -> memref<2000xi32, #tpu.memory_space<vmem>>
      %dma_wait3A_182 = tpu.memref_slice %arg3[%add3A_22] : memref<320000xi32, #tpu.memory_space<hbm>> -> memref<2000xi32, #tpu.memory_space<hbm>>
      tpu.wait_dma2 semaphore(%run_scoped3A_166 : memref<!tpu.dma_semaphore, #tpu.memory_space<semaphore_mem>>) src(%dma_wait3A_182 : memref<2000xi32, #tpu.memory_space<hbm>>) dst(%dma_wait3A_181 : memref<2000xi32, #tpu.memory_space<vmem>>)
      tpu.yield
    }) : () -> ()
    %dma_start3A_25 = arith.constant 1 : i32
    %dma_start3A_26 = arith.constant 1 : i32
    %dma_start3A_27 = arith.constant 0 : i32
    %dma_start3A_28 = arith.constant 0 : i32
    %dma_start3A_29 = tpu.memref_slice %arg9[%dma_start3A_26, %dma_start3A_27, %dma_start3A_28] : memref<2x2000x8xf32, #tpu.memory_space<vmem>> -> memref<1x2000x8xf32, #tpu.memory_space<vmem>>
    %dma_start3A_30 = tpu.memref_squeeze %dma_start3A_29 : memref<1x2000x8xf32, #tpu.memory_space<vmem>> -> memref<2000x8xf32, #tpu.memory_space<vmem>>
    %dma_start3A_31 = arith.constant 0 : i32
    %dma_start3A_32 = tpu.memref_slice %arg7[%dma_start3A_25, %dma_start3A_31] : memref<2x2000xi32, #tpu.memory_space<vmem>> -> memref<1x2000xi32, #tpu.memory_space<vmem>>
    %dma_start3A_33 = tpu.memref_squeeze %dma_start3A_32 : memref<1x2000xi32, #tpu.memory_space<vmem>> -> memref<2000xi32, #tpu.memory_space<vmem>>
    %dma_start3A_34 = arith.constant 0 : i32
    %dma_start3A_35 = arith.constant 0 : i32
    %dma_start3A_36 = tpu.memref_slice %arg4[%dma_start3A_34, %dma_start3A_35] : memref<10000x8xf32, #tpu.memory_space<hbm>> -> memref<10000x8xf32, #tpu.memory_space<hbm>>
    tpu.enqueue_indirect_dma source(%dma_start3A_36 : memref<10000x8xf32, #tpu.memory_space<hbm>>) target(%dma_start3A_30 : memref<2000x8xf32, #tpu.memory_space<vmem>>) offsets(%dma_start3A_33 : memref<2000xi32, #tpu.memory_space<vmem>>) semaphore(%arg12 : memref<!tpu.dma_semaphore, #tpu.memory_space<semaphore_mem>>)
    %dma_wait3A = arith.constant 0 : i32
    %dma_wait3A_37 = arith.constant 0 : i32
    %dma_wait3A_38 = arith.constant 0 : i32
    %dma_wait3A_39 = arith.constant 0 : i32
    %dma_wait3A_40 = tpu.memref_slice %arg9[%dma_wait3A_37, %dma_wait3A_38, %dma_wait3A_39] : memref<2x2000x8xf32, #tpu.memory_space<vmem>> -> memref<1x2000x8xf32, #tpu.memory_space<vmem>>
    %dma_wait3A_41 = tpu.memref_squeeze %dma_wait3A_40 : memref<1x2000x8xf32, #tpu.memory_space<vmem>> -> memref<2000x8xf32, #tpu.memory_space<vmem>>
    %dma_wait3A_42 = arith.constant 0 : i32
    %dma_wait3A_43 = tpu.memref_slice %arg7[%dma_wait3A, %dma_wait3A_42] : memref<2x2000xi32, #tpu.memory_space<vmem>> -> memref<1x2000xi32, #tpu.memory_space<vmem>>
    %dma_wait3A_44 = tpu.memref_squeeze %dma_wait3A_43 : memref<1x2000xi32, #tpu.memory_space<vmem>> -> memref<2000xi32, #tpu.memory_space<vmem>>
    %dma_wait3A_45 = arith.constant 0 : i32
    %dma_wait3A_46 = arith.constant 0 : i32
    %dma_wait3A_47 = tpu.memref_slice %arg4[%dma_wait3A_45, %dma_wait3A_46] : memref<10000x8xf32, #tpu.memory_space<hbm>> -> memref<10000x8xf32, #tpu.memory_space<hbm>>
    tpu.wait_indirect_dma semaphore(%arg11 : memref<!tpu.dma_semaphore, #tpu.memory_space<semaphore_mem>>) src(%dma_wait3A_47 : memref<10000x8xf32, #tpu.memory_space<hbm>>) dst(%dma_wait3A_41 : memref<2000x8xf32, #tpu.memory_space<vmem>>)
    %run_scoped3A_48 = arith.constant 0 : i32
    %run_scoped3A_49 = arith.constant 0 : i32
    "tpu.region"() ({
      %run_scoped3A_166 = tpu.sem_alloc : memref<!tpu.dma_semaphore, #tpu.memory_space<semaphore_mem>>
      %dma_start3A_167 = arith.constant 0 : i32
      %dma_start3A_168 = arith.constant 0 : i32
      %dma_start3A_169 = tpu.memref_slice %arg9[%run_scoped3A_48, %dma_start3A_167, %dma_start3A_168] : memref<2x2000x8xf32, #tpu.memory_space<vmem>> -> memref<1x2000x8xf32, #tpu.memory_space<vmem>>
      %dma_start3A_170 = tpu.memref_squeeze %dma_start3A_169 : memref<1x2000x8xf32, #tpu.memory_space<vmem>> -> memref<2000x8xf32, #tpu.memory_space<vmem>>
      %dma_start3A_171 = arith.constant 0 : i32
      %dma_start3A_172 = tpu.memref_slice %arg8[%run_scoped3A_49, %dma_start3A_171] : memref<2x2000xi32, #tpu.memory_space<vmem>> -> memref<1x2000xi32, #tpu.memory_space<vmem>>
      %dma_start3A_173 = tpu.memref_squeeze %dma_start3A_172 : memref<1x2000xi32, #tpu.memory_space<vmem>> -> memref<2000xi32, #tpu.memory_space<vmem>>
      %dma_start3A_174 = arith.constant 0 : i32
      %dma_start3A_175 = arith.constant 0 : i32
      %dma_start3A_176 = tpu.memref_slice %arg10[%dma_start3A_174, %dma_start3A_175] : memref<10000x8xf32, #tpu.memory_space<vmem_shared>> -> memref<10000x8xf32, #tpu.memory_space<vmem_shared>>
      tpu.enqueue_indirect_dma source(%dma_start3A_170 : memref<2000x8xf32, #tpu.memory_space<vmem>>) target(%dma_start3A_176 : memref<10000x8xf32, #tpu.memory_space<vmem_shared>>) offsets(%dma_start3A_173 : memref<2000xi32, #tpu.memory_space<vmem>>) semaphore(%run_scoped3A_166 : memref<!tpu.dma_semaphore, #tpu.memory_space<semaphore_mem>>) {add = true}
      %dma_wait3A_177 = arith.constant 0 : i32
      %dma_wait3A_178 = arith.constant 0 : i32
      %dma_wait3A_179 = tpu.memref_slice %arg9[%run_scoped3A_48, %dma_wait3A_177, %dma_wait3A_178] : memref<2x2000x8xf32, #tpu.memory_space<vmem>> -> memref<1x2000x8xf32, #tpu.memory_space<vmem>>
      %dma_wait3A_180 = tpu.memref_squeeze %dma_wait3A_179 : memref<1x2000x8xf32, #tpu.memory_space<vmem>> -> memref<2000x8xf32, #tpu.memory_space<vmem>>
      %dma_wait3A_181 = arith.constant 0 : i32
      %dma_wait3A_182 = tpu.memref_slice %arg8[%run_scoped3A_49, %dma_wait3A_181] : memref<2x2000xi32, #tpu.memory_space<vmem>> -> memref<1x2000xi32, #tpu.memory_space<vmem>>
      %dma_wait3A_183 = tpu.memref_squeeze %dma_wait3A_182 : memref<1x2000xi32, #tpu.memory_space<vmem>> -> memref<2000xi32, #tpu.memory_space<vmem>>
      %dma_wait3A_184 = arith.constant 0 : i32
      %dma_wait3A_185 = arith.constant 0 : i32
      %dma_wait3A_186 = tpu.memref_slice %arg10[%dma_wait3A_184, %dma_wait3A_185] : memref<10000x8xf32, #tpu.memory_space<vmem_shared>> -> memref<10000x8xf32, #tpu.memory_space<vmem_shared>>
      tpu.wait_indirect_dma semaphore(%run_scoped3A_166 : memref<!tpu.dma_semaphore, #tpu.memory_space<semaphore_mem>>) src(%dma_wait3A_180 : memref<2000x8xf32, #tpu.memory_space<vmem>>) dst(%dma_wait3A_186 : memref<10000x8xf32, #tpu.memory_space<vmem_shared>>)
      tpu.yield
    }) : () -> ()
    %mul3A_50 = arith.constant 10000 : i32
    %mul3A_51 = arith.muli %add3A, %mul3A_50 : i32
    %add3A_52 = arith.constant 4000 : i32
    %add3A_53 = arith.addi %mul3A_51, %add3A_52 : i32
    %run_scoped3A_54 = arith.constant 0 : i32
    "tpu.region"() ({
      %run_scoped3A_166 = tpu.sem_alloc : memref<!tpu.dma_semaphore, #tpu.memory_space<semaphore_mem>>
      %dma_start3A_167 = arith.constant 0 : i32
      %dma_start3A_168 = tpu.memref_slice %arg7[%run_scoped3A_54, %dma_start3A_167] : memref<2x2000xi32, #tpu.memory_space<vmem>> -> memref<1x2000xi32, #tpu.memory_space<vmem>>
      %dma_start3A_169 = tpu.memref_squeeze %dma_start3A_168 : memref<1x2000xi32, #tpu.memory_space<vmem>> -> memref<2000xi32, #tpu.memory_space<vmem>>
      %dma_start3A_170 = tpu.memref_slice %arg2[%add3A_53] : memref<320000xi32, #tpu.memory_space<hbm>> -> memref<2000xi32, #tpu.memory_space<hbm>>
      %dma_start3A_171 = arith.constant 0 : i32
      %dma_start3A_172 = tpu.memref_slice %arg7[%run_scoped3A_54, %dma_start3A_171] : memref<2x2000xi32, #tpu.memory_space<vmem>> -> memref<1x2000xi32, #tpu.memory_space<vmem>>
      %dma_start3A_173 = tpu.memref_squeeze %dma_start3A_172 : memref<1x2000xi32, #tpu.memory_space<vmem>> -> memref<2000xi32, #tpu.memory_space<vmem>>
      %dma_start3A_174 = tpu.memref_slice %arg2[%add3A_53] : memref<320000xi32, #tpu.memory_space<hbm>> -> memref<2000xi32, #tpu.memory_space<hbm>>
      tpu.enqueue_dma source(%dma_start3A_174 : memref<2000xi32, #tpu.memory_space<hbm>>) target(%dma_start3A_173 : memref<2000xi32, #tpu.memory_space<vmem>>) target_semaphore(%run_scoped3A_166 : memref<!tpu.dma_semaphore, #tpu.memory_space<semaphore_mem>>)
      %dma_wait3A_175 = arith.constant 0 : i32
      %dma_wait3A_176 = tpu.memref_slice %arg7[%run_scoped3A_54, %dma_wait3A_175] : memref<2x2000xi32, #tpu.memory_space<vmem>> -> memref<1x2000xi32, #tpu.memory_space<vmem>>
      %dma_wait3A_177 = tpu.memref_squeeze %dma_wait3A_176 : memref<1x2000xi32, #tpu.memory_space<vmem>> -> memref<2000xi32, #tpu.memory_space<vmem>>
      %dma_wait3A_178 = tpu.memref_slice %arg2[%add3A_53] : memref<320000xi32, #tpu.memory_space<hbm>> -> memref<2000xi32, #tpu.memory_space<hbm>>
      %dma_wait3A_179 = arith.constant 0 : i32
      %dma_wait3A_180 = tpu.memref_slice %arg7[%run_scoped3A_54, %dma_wait3A_179] : memref<2x2000xi32, #tpu.memory_space<vmem>> -> memref<1x2000xi32, #tpu.memory_space<vmem>>
      %dma_wait3A_181 = tpu.memref_squeeze %dma_wait3A_180 : memref<1x2000xi32, #tpu.memory_space<vmem>> -> memref<2000xi32, #tpu.memory_space<vmem>>
      %dma_wait3A_182 = tpu.memref_slice %arg2[%add3A_53] : memref<320000xi32, #tpu.memory_space<hbm>> -> memref<2000xi32, #tpu.memory_space<hbm>>
      tpu.wait_dma2 semaphore(%run_scoped3A_166 : memref<!tpu.dma_semaphore, #tpu.memory_space<semaphore_mem>>) src(%dma_wait3A_182 : memref<2000xi32, #tpu.memory_space<hbm>>) dst(%dma_wait3A_181 : memref<2000xi32, #tpu.memory_space<vmem>>)
      tpu.yield
    }) : () -> ()
    %run_scoped3A_55 = arith.constant 0 : i32
    "tpu.region"() ({
      %run_scoped3A_166 = tpu.sem_alloc : memref<!tpu.dma_semaphore, #tpu.memory_space<semaphore_mem>>
      %dma_start3A_167 = arith.constant 0 : i32
      %dma_start3A_168 = tpu.memref_slice %arg8[%run_scoped3A_55, %dma_start3A_167] : memref<2x2000xi32, #tpu.memory_space<vmem>> -> memref<1x2000xi32, #tpu.memory_space<vmem>>
      %dma_start3A_169 = tpu.memref_squeeze %dma_start3A_168 : memref<1x2000xi32, #tpu.memory_space<vmem>> -> memref<2000xi32, #tpu.memory_space<vmem>>
      %dma_start3A_170 = tpu.memref_slice %arg3[%add3A_53] : memref<320000xi32, #tpu.memory_space<hbm>> -> memref<2000xi32, #tpu.memory_space<hbm>>
      %dma_start3A_171 = arith.constant 0 : i32
      %dma_start3A_172 = tpu.memref_slice %arg8[%run_scoped3A_55, %dma_start3A_171] : memref<2x2000xi32, #tpu.memory_space<vmem>> -> memref<1x2000xi32, #tpu.memory_space<vmem>>
      %dma_start3A_173 = tpu.memref_squeeze %dma_start3A_172 : memref<1x2000xi32, #tpu.memory_space<vmem>> -> memref<2000xi32, #tpu.memory_space<vmem>>
      %dma_start3A_174 = tpu.memref_slice %arg3[%add3A_53] : memref<320000xi32, #tpu.memory_space<hbm>> -> memref<2000xi32, #tpu.memory_space<hbm>>
      tpu.enqueue_dma source(%dma_start3A_174 : memref<2000xi32, #tpu.memory_space<hbm>>) target(%dma_start3A_173 : memref<2000xi32, #tpu.memory_space<vmem>>) target_semaphore(%run_scoped3A_166 : memref<!tpu.dma_semaphore, #tpu.memory_space<semaphore_mem>>)
      %dma_wait3A_175 = arith.constant 0 : i32
      %dma_wait3A_176 = tpu.memref_slice %arg8[%run_scoped3A_55, %dma_wait3A_175] : memref<2x2000xi32, #tpu.memory_space<vmem>> -> memref<1x2000xi32, #tpu.memory_space<vmem>>
      %dma_wait3A_177 = tpu.memref_squeeze %dma_wait3A_176 : memref<1x2000xi32, #tpu.memory_space<vmem>> -> memref<2000xi32, #tpu.memory_space<vmem>>
      %dma_wait3A_178 = tpu.memref_slice %arg3[%add3A_53] : memref<320000xi32, #tpu.memory_space<hbm>> -> memref<2000xi32, #tpu.memory_space<hbm>>
      %dma_wait3A_179 = arith.constant 0 : i32
      %dma_wait3A_180 = tpu.memref_slice %arg8[%run_scoped3A_55, %dma_wait3A_179] : memref<2x2000xi32, #tpu.memory_space<vmem>> -> memref<1x2000xi32, #tpu.memory_space<vmem>>
      %dma_wait3A_181 = tpu.memref_squeeze %dma_wait3A_180 : memref<1x2000xi32, #tpu.memory_space<vmem>> -> memref<2000xi32, #tpu.memory_space<vmem>>
      %dma_wait3A_182 = tpu.memref_slice %arg3[%add3A_53] : memref<320000xi32, #tpu.memory_space<hbm>> -> memref<2000xi32, #tpu.memory_space<hbm>>
      tpu.wait_dma2 semaphore(%run_scoped3A_166 : memref<!tpu.dma_semaphore, #tpu.memory_space<semaphore_mem>>) src(%dma_wait3A_182 : memref<2000xi32, #tpu.memory_space<hbm>>) dst(%dma_wait3A_181 : memref<2000xi32, #tpu.memory_space<vmem>>)
      tpu.yield
    }) : () -> ()
    %dma_start3A_56 = arith.constant 0 : i32
    %dma_start3A_57 = arith.constant 0 : i32
    %dma_start3A_58 = arith.constant 0 : i32
    %dma_start3A_59 = arith.constant 0 : i32
    %dma_start3A_60 = tpu.memref_slice %arg9[%dma_start3A_57, %dma_start3A_58, %dma_start3A_59] : memref<2x2000x8xf32, #tpu.memory_space<vmem>> -> memref<1x2000x8xf32, #tpu.memory_space<vmem>>
    %dma_start3A_61 = tpu.memref_squeeze %dma_start3A_60 : memref<1x2000x8xf32, #tpu.memory_space<vmem>> -> memref<2000x8xf32, #tpu.memory_space<vmem>>
    %dma_start3A_62 = arith.constant 0 : i32
    %dma_start3A_63 = tpu.memref_slice %arg7[%dma_start3A_56, %dma_start3A_62] : memref<2x2000xi32, #tpu.memory_space<vmem>> -> memref<1x2000xi32, #tpu.memory_space<vmem>>
    %dma_start3A_64 = tpu.memref_squeeze %dma_start3A_63 : memref<1x2000xi32, #tpu.memory_space<vmem>> -> memref<2000xi32, #tpu.memory_space<vmem>>
    %dma_start3A_65 = arith.constant 0 : i32
    %dma_start3A_66 = arith.constant 0 : i32
    %dma_start3A_67 = tpu.memref_slice %arg4[%dma_start3A_65, %dma_start3A_66] : memref<10000x8xf32, #tpu.memory_space<hbm>> -> memref<10000x8xf32, #tpu.memory_space<hbm>>
    tpu.enqueue_indirect_dma source(%dma_start3A_67 : memref<10000x8xf32, #tpu.memory_space<hbm>>) target(%dma_start3A_61 : memref<2000x8xf32, #tpu.memory_space<vmem>>) offsets(%dma_start3A_64 : memref<2000xi32, #tpu.memory_space<vmem>>) semaphore(%arg11 : memref<!tpu.dma_semaphore, #tpu.memory_space<semaphore_mem>>)
    %dma_wait3A_68 = arith.constant 1 : i32
    %dma_wait3A_69 = arith.constant 1 : i32
    %dma_wait3A_70 = arith.constant 0 : i32
    %dma_wait3A_71 = arith.constant 0 : i32
    %dma_wait3A_72 = tpu.memref_slice %arg9[%dma_wait3A_69, %dma_wait3A_70, %dma_wait3A_71] : memref<2x2000x8xf32, #tpu.memory_space<vmem>> -> memref<1x2000x8xf32, #tpu.memory_space<vmem>>
    %dma_wait3A_73 = tpu.memref_squeeze %dma_wait3A_72 : memref<1x2000x8xf32, #tpu.memory_space<vmem>> -> memref<2000x8xf32, #tpu.memory_space<vmem>>
    %dma_wait3A_74 = arith.constant 0 : i32
    %dma_wait3A_75 = tpu.memref_slice %arg7[%dma_wait3A_68, %dma_wait3A_74] : memref<2x2000xi32, #tpu.memory_space<vmem>> -> memref<1x2000xi32, #tpu.memory_space<vmem>>
    %dma_wait3A_76 = tpu.memref_squeeze %dma_wait3A_75 : memref<1x2000xi32, #tpu.memory_space<vmem>> -> memref<2000xi32, #tpu.memory_space<vmem>>
    %dma_wait3A_77 = arith.constant 0 : i32
    %dma_wait3A_78 = arith.constant 0 : i32
    %dma_wait3A_79 = tpu.memref_slice %arg4[%dma_wait3A_77, %dma_wait3A_78] : memref<10000x8xf32, #tpu.memory_space<hbm>> -> memref<10000x8xf32, #tpu.memory_space<hbm>>
    tpu.wait_indirect_dma semaphore(%arg12 : memref<!tpu.dma_semaphore, #tpu.memory_space<semaphore_mem>>) src(%dma_wait3A_79 : memref<10000x8xf32, #tpu.memory_space<hbm>>) dst(%dma_wait3A_73 : memref<2000x8xf32, #tpu.memory_space<vmem>>)
    %run_scoped3A_80 = arith.constant 1 : i32
    %run_scoped3A_81 = arith.constant 1 : i32
    "tpu.region"() ({
      %run_scoped3A_166 = tpu.sem_alloc : memref<!tpu.dma_semaphore, #tpu.memory_space<semaphore_mem>>
      %dma_start3A_167 = arith.constant 0 : i32
      %dma_start3A_168 = arith.constant 0 : i32
      %dma_start3A_169 = tpu.memref_slice %arg9[%run_scoped3A_80, %dma_start3A_167, %dma_start3A_168] : memref<2x2000x8xf32, #tpu.memory_space<vmem>> -> memref<1x2000x8xf32, #tpu.memory_space<vmem>>
      %dma_start3A_170 = tpu.memref_squeeze %dma_start3A_169 : memref<1x2000x8xf32, #tpu.memory_space<vmem>> -> memref<2000x8xf32, #tpu.memory_space<vmem>>
      %dma_start3A_171 = arith.constant 0 : i32
      %dma_start3A_172 = tpu.memref_slice %arg8[%run_scoped3A_81, %dma_start3A_171] : memref<2x2000xi32, #tpu.memory_space<vmem>> -> memref<1x2000xi32, #tpu.memory_space<vmem>>
      %dma_start3A_173 = tpu.memref_squeeze %dma_start3A_172 : memref<1x2000xi32, #tpu.memory_space<vmem>> -> memref<2000xi32, #tpu.memory_space<vmem>>
      %dma_start3A_174 = arith.constant 0 : i32
      %dma_start3A_175 = arith.constant 0 : i32
      %dma_start3A_176 = tpu.memref_slice %arg10[%dma_start3A_174, %dma_start3A_175] : memref<10000x8xf32, #tpu.memory_space<vmem_shared>> -> memref<10000x8xf32, #tpu.memory_space<vmem_shared>>
      tpu.enqueue_indirect_dma source(%dma_start3A_170 : memref<2000x8xf32, #tpu.memory_space<vmem>>) target(%dma_start3A_176 : memref<10000x8xf32, #tpu.memory_space<vmem_shared>>) offsets(%dma_start3A_173 : memref<2000xi32, #tpu.memory_space<vmem>>) semaphore(%run_scoped3A_166 : memref<!tpu.dma_semaphore, #tpu.memory_space<semaphore_mem>>) {add = true}
      %dma_wait3A_177 = arith.constant 0 : i32
      %dma_wait3A_178 = arith.constant 0 : i32
      %dma_wait3A_179 = tpu.memref_slice %arg9[%run_scoped3A_80, %dma_wait3A_177, %dma_wait3A_178] : memref<2x2000x8xf32, #tpu.memory_space<vmem>> -> memref<1x2000x8xf32, #tpu.memory_space<vmem>>
      %dma_wait3A_180 = tpu.memref_squeeze %dma_wait3A_179 : memref<1x2000x8xf32, #tpu.memory_space<vmem>> -> memref<2000x8xf32, #tpu.memory_space<vmem>>
      %dma_wait3A_181 = arith.constant 0 : i32
      %dma_wait3A_182 = tpu.memref_slice %arg8[%run_scoped3A_81, %dma_wait3A_181] : memref<2x2000xi32, #tpu.memory_space<vmem>> -> memref<1x2000xi32, #tpu.memory_space<vmem>>
      %dma_wait3A_183 = tpu.memref_squeeze %dma_wait3A_182 : memref<1x2000xi32, #tpu.memory_space<vmem>> -> memref<2000xi32, #tpu.memory_space<vmem>>
      %dma_wait3A_184 = arith.constant 0 : i32
      %dma_wait3A_185 = arith.constant 0 : i32
      %dma_wait3A_186 = tpu.memref_slice %arg10[%dma_wait3A_184, %dma_wait3A_185] : memref<10000x8xf32, #tpu.memory_space<vmem_shared>> -> memref<10000x8xf32, #tpu.memory_space<vmem_shared>>
      tpu.wait_indirect_dma semaphore(%run_scoped3A_166 : memref<!tpu.dma_semaphore, #tpu.memory_space<semaphore_mem>>) src(%dma_wait3A_180 : memref<2000x8xf32, #tpu.memory_space<vmem>>) dst(%dma_wait3A_186 : memref<10000x8xf32, #tpu.memory_space<vmem_shared>>)
      tpu.yield
    }) : () -> ()
    %mul3A_82 = arith.constant 10000 : i32
    %mul3A_83 = arith.muli %add3A, %mul3A_82 : i32
    %add3A_84 = arith.constant 6000 : i32
    %add3A_85 = arith.addi %mul3A_83, %add3A_84 : i32
    %run_scoped3A_86 = arith.constant 1 : i32
    "tpu.region"() ({
      %run_scoped3A_166 = tpu.sem_alloc : memref<!tpu.dma_semaphore, #tpu.memory_space<semaphore_mem>>
      %dma_start3A_167 = arith.constant 0 : i32
      %dma_start3A_168 = tpu.memref_slice %arg7[%run_scoped3A_86, %dma_start3A_167] : memref<2x2000xi32, #tpu.memory_space<vmem>> -> memref<1x2000xi32, #tpu.memory_space<vmem>>
      %dma_start3A_169 = tpu.memref_squeeze %dma_start3A_168 : memref<1x2000xi32, #tpu.memory_space<vmem>> -> memref<2000xi32, #tpu.memory_space<vmem>>
      %dma_start3A_170 = tpu.memref_slice %arg2[%add3A_85] : memref<320000xi32, #tpu.memory_space<hbm>> -> memref<2000xi32, #tpu.memory_space<hbm>>
      %dma_start3A_171 = arith.constant 0 : i32
      %dma_start3A_172 = tpu.memref_slice %arg7[%run_scoped3A_86, %dma_start3A_171] : memref<2x2000xi32, #tpu.memory_space<vmem>> -> memref<1x2000xi32, #tpu.memory_space<vmem>>
      %dma_start3A_173 = tpu.memref_squeeze %dma_start3A_172 : memref<1x2000xi32, #tpu.memory_space<vmem>> -> memref<2000xi32, #tpu.memory_space<vmem>>
      %dma_start3A_174 = tpu.memref_slice %arg2[%add3A_85] : memref<320000xi32, #tpu.memory_space<hbm>> -> memref<2000xi32, #tpu.memory_space<hbm>>
      tpu.enqueue_dma source(%dma_start3A_174 : memref<2000xi32, #tpu.memory_space<hbm>>) target(%dma_start3A_173 : memref<2000xi32, #tpu.memory_space<vmem>>) target_semaphore(%run_scoped3A_166 : memref<!tpu.dma_semaphore, #tpu.memory_space<semaphore_mem>>)
      %dma_wait3A_175 = arith.constant 0 : i32
      %dma_wait3A_176 = tpu.memref_slice %arg7[%run_scoped3A_86, %dma_wait3A_175] : memref<2x2000xi32, #tpu.memory_space<vmem>> -> memref<1x2000xi32, #tpu.memory_space<vmem>>
      %dma_wait3A_177 = tpu.memref_squeeze %dma_wait3A_176 : memref<1x2000xi32, #tpu.memory_space<vmem>> -> memref<2000xi32, #tpu.memory_space<vmem>>
      %dma_wait3A_178 = tpu.memref_slice %arg2[%add3A_85] : memref<320000xi32, #tpu.memory_space<hbm>> -> memref<2000xi32, #tpu.memory_space<hbm>>
      %dma_wait3A_179 = arith.constant 0 : i32
      %dma_wait3A_180 = tpu.memref_slice %arg7[%run_scoped3A_86, %dma_wait3A_179] : memref<2x2000xi32, #tpu.memory_space<vmem>> -> memref<1x2000xi32, #tpu.memory_space<vmem>>
      %dma_wait3A_181 = tpu.memref_squeeze %dma_wait3A_180 : memref<1x2000xi32, #tpu.memory_space<vmem>> -> memref<2000xi32, #tpu.memory_space<vmem>>
      %dma_wait3A_182 = tpu.memref_slice %arg2[%add3A_85] : memref<320000xi32, #tpu.memory_space<hbm>> -> memref<2000xi32, #tpu.memory_space<hbm>>
      tpu.wait_dma2 semaphore(%run_scoped3A_166 : memref<!tpu.dma_semaphore, #tpu.memory_space<semaphore_mem>>) src(%dma_wait3A_182 : memref<2000xi32, #tpu.memory_space<hbm>>) dst(%dma_wait3A_181 : memref<2000xi32, #tpu.memory_space<vmem>>)
      tpu.yield
    }) : () -> ()
    %run_scoped3A_87 = arith.constant 1 : i32
    "tpu.region"() ({
      %run_scoped3A_166 = tpu.sem_alloc : memref<!tpu.dma_semaphore, #tpu.memory_space<semaphore_mem>>
      %dma_start3A_167 = arith.constant 0 : i32
      %dma_start3A_168 = tpu.memref_slice %arg8[%run_scoped3A_87, %dma_start3A_167] : memref<2x2000xi32, #tpu.memory_space<vmem>> -> memref<1x2000xi32, #tpu.memory_space<vmem>>
      %dma_start3A_169 = tpu.memref_squeeze %dma_start3A_168 : memref<1x2000xi32, #tpu.memory_space<vmem>> -> memref<2000xi32, #tpu.memory_space<vmem>>
      %dma_start3A_170 = tpu.memref_slice %arg3[%add3A_85] : memref<320000xi32, #tpu.memory_space<hbm>> -> memref<2000xi32, #tpu.memory_space<hbm>>
      %dma_start3A_171 = arith.constant 0 : i32
      %dma_start3A_172 = tpu.memref_slice %arg8[%run_scoped3A_87, %dma_start3A_171] : memref<2x2000xi32, #tpu.memory_space<vmem>> -> memref<1x2000xi32, #tpu.memory_space<vmem>>
      %dma_start3A_173 = tpu.memref_squeeze %dma_start3A_172 : memref<1x2000xi32, #tpu.memory_space<vmem>> -> memref<2000xi32, #tpu.memory_space<vmem>>
      %dma_start3A_174 = tpu.memref_slice %arg3[%add3A_85] : memref<320000xi32, #tpu.memory_space<hbm>> -> memref<2000xi32, #tpu.memory_space<hbm>>
      tpu.enqueue_dma source(%dma_start3A_174 : memref<2000xi32, #tpu.memory_space<hbm>>) target(%dma_start3A_173 : memref<2000xi32, #tpu.memory_space<vmem>>) target_semaphore(%run_scoped3A_166 : memref<!tpu.dma_semaphore, #tpu.memory_space<semaphore_mem>>)
      %dma_wait3A_175 = arith.constant 0 : i32
      %dma_wait3A_176 = tpu.memref_slice %arg8[%run_scoped3A_87, %dma_wait3A_175] : memref<2x2000xi32, #tpu.memory_space<vmem>> -> memref<1x2000xi32, #tpu.memory_space<vmem>>
      %dma_wait3A_177 = tpu.memref_squeeze %dma_wait3A_176 : memref<1x2000xi32, #tpu.memory_space<vmem>> -> memref<2000xi32, #tpu.memory_space<vmem>>
      %dma_wait3A_178 = tpu.memref_slice %arg3[%add3A_85] : memref<320000xi32, #tpu.memory_space<hbm>> -> memref<2000xi32, #tpu.memory_space<hbm>>
      %dma_wait3A_179 = arith.constant 0 : i32
      %dma_wait3A_180 = tpu.memref_slice %arg8[%run_scoped3A_87, %dma_wait3A_179] : memref<2x2000xi32, #tpu.memory_space<vmem>> -> memref<1x2000xi32, #tpu.memory_space<vmem>>
      %dma_wait3A_181 = tpu.memref_squeeze %dma_wait3A_180 : memref<1x2000xi32, #tpu.memory_space<vmem>> -> memref<2000xi32, #tpu.memory_space<vmem>>
      %dma_wait3A_182 = tpu.memref_slice %arg3[%add3A_85] : memref<320000xi32, #tpu.memory_space<hbm>> -> memref<2000xi32, #tpu.memory_space<hbm>>
      tpu.wait_dma2 semaphore(%run_scoped3A_166 : memref<!tpu.dma_semaphore, #tpu.memory_space<semaphore_mem>>) src(%dma_wait3A_182 : memref<2000xi32, #tpu.memory_space<hbm>>) dst(%dma_wait3A_181 : memref<2000xi32, #tpu.memory_space<vmem>>)
      tpu.yield
    }) : () -> ()
    %dma_start3A_88 = arith.constant 1 : i32
    %dma_start3A_89 = arith.constant 1 : i32
    %dma_start3A_90 = arith.constant 0 : i32
    %dma_start3A_91 = arith.constant 0 : i32
    %dma_start3A_92 = tpu.memref_slice %arg9[%dma_start3A_89, %dma_start3A_90, %dma_start3A_91] : memref<2x2000x8xf32, #tpu.memory_space<vmem>> -> memref<1x2000x8xf32, #tpu.memory_space<vmem>>
    %dma_start3A_93 = tpu.memref_squeeze %dma_start3A_92 : memref<1x2000x8xf32, #tpu.memory_space<vmem>> -> memref<2000x8xf32, #tpu.memory_space<vmem>>
    %dma_start3A_94 = arith.constant 0 : i32
    %dma_start3A_95 = tpu.memref_slice %arg7[%dma_start3A_88, %dma_start3A_94] : memref<2x2000xi32, #tpu.memory_space<vmem>> -> memref<1x2000xi32, #tpu.memory_space<vmem>>
    %dma_start3A_96 = tpu.memref_squeeze %dma_start3A_95 : memref<1x2000xi32, #tpu.memory_space<vmem>> -> memref<2000xi32, #tpu.memory_space<vmem>>
    %dma_start3A_97 = arith.constant 0 : i32
    %dma_start3A_98 = arith.constant 0 : i32
    %dma_start3A_99 = tpu.memref_slice %arg4[%dma_start3A_97, %dma_start3A_98] : memref<10000x8xf32, #tpu.memory_space<hbm>> -> memref<10000x8xf32, #tpu.memory_space<hbm>>
    tpu.enqueue_indirect_dma source(%dma_start3A_99 : memref<10000x8xf32, #tpu.memory_space<hbm>>) target(%dma_start3A_93 : memref<2000x8xf32, #tpu.memory_space<vmem>>) offsets(%dma_start3A_96 : memref<2000xi32, #tpu.memory_space<vmem>>) semaphore(%arg12 : memref<!tpu.dma_semaphore, #tpu.memory_space<semaphore_mem>>)
    %dma_wait3A_100 = arith.constant 0 : i32
    %dma_wait3A_101 = arith.constant 0 : i32
    %dma_wait3A_102 = arith.constant 0 : i32
    %dma_wait3A_103 = arith.constant 0 : i32
    %dma_wait3A_104 = tpu.memref_slice %arg9[%dma_wait3A_101, %dma_wait3A_102, %dma_wait3A_103] : memref<2x2000x8xf32, #tpu.memory_space<vmem>> -> memref<1x2000x8xf32, #tpu.memory_space<vmem>>
    %dma_wait3A_105 = tpu.memref_squeeze %dma_wait3A_104 : memref<1x2000x8xf32, #tpu.memory_space<vmem>> -> memref<2000x8xf32, #tpu.memory_space<vmem>>
    %dma_wait3A_106 = arith.constant 0 : i32
    %dma_wait3A_107 = tpu.memref_slice %arg7[%dma_wait3A_100, %dma_wait3A_106] : memref<2x2000xi32, #tpu.memory_space<vmem>> -> memref<1x2000xi32, #tpu.memory_space<vmem>>
    %dma_wait3A_108 = tpu.memref_squeeze %dma_wait3A_107 : memref<1x2000xi32, #tpu.memory_space<vmem>> -> memref<2000xi32, #tpu.memory_space<vmem>>
    %dma_wait3A_109 = arith.constant 0 : i32
    %dma_wait3A_110 = arith.constant 0 : i32
    %dma_wait3A_111 = tpu.memref_slice %arg4[%dma_wait3A_109, %dma_wait3A_110] : memref<10000x8xf32, #tpu.memory_space<hbm>> -> memref<10000x8xf32, #tpu.memory_space<hbm>>
    tpu.wait_indirect_dma semaphore(%arg11 : memref<!tpu.dma_semaphore, #tpu.memory_space<semaphore_mem>>) src(%dma_wait3A_111 : memref<10000x8xf32, #tpu.memory_space<hbm>>) dst(%dma_wait3A_105 : memref<2000x8xf32, #tpu.memory_space<vmem>>)
    %run_scoped3A_112 = arith.constant 0 : i32
    %run_scoped3A_113 = arith.constant 0 : i32
    "tpu.region"() ({
      %run_scoped3A_166 = tpu.sem_alloc : memref<!tpu.dma_semaphore, #tpu.memory_space<semaphore_mem>>
      %dma_start3A_167 = arith.constant 0 : i32
      %dma_start3A_168 = arith.constant 0 : i32
      %dma_start3A_169 = tpu.memref_slice %arg9[%run_scoped3A_112, %dma_start3A_167, %dma_start3A_168] : memref<2x2000x8xf32, #tpu.memory_space<vmem>> -> memref<1x2000x8xf32, #tpu.memory_space<vmem>>
      %dma_start3A_170 = tpu.memref_squeeze %dma_start3A_169 : memref<1x2000x8xf32, #tpu.memory_space<vmem>> -> memref<2000x8xf32, #tpu.memory_space<vmem>>
      %dma_start3A_171 = arith.constant 0 : i32
      %dma_start3A_172 = tpu.memref_slice %arg8[%run_scoped3A_113, %dma_start3A_171] : memref<2x2000xi32, #tpu.memory_space<vmem>> -> memref<1x2000xi32, #tpu.memory_space<vmem>>
      %dma_start3A_173 = tpu.memref_squeeze %dma_start3A_172 : memref<1x2000xi32, #tpu.memory_space<vmem>> -> memref<2000xi32, #tpu.memory_space<vmem>>
      %dma_start3A_174 = arith.constant 0 : i32
      %dma_start3A_175 = arith.constant 0 : i32
      %dma_start3A_176 = tpu.memref_slice %arg10[%dma_start3A_174, %dma_start3A_175] : memref<10000x8xf32, #tpu.memory_space<vmem_shared>> -> memref<10000x8xf32, #tpu.memory_space<vmem_shared>>
      tpu.enqueue_indirect_dma source(%dma_start3A_170 : memref<2000x8xf32, #tpu.memory_space<vmem>>) target(%dma_start3A_176 : memref<10000x8xf32, #tpu.memory_space<vmem_shared>>) offsets(%dma_start3A_173 : memref<2000xi32, #tpu.memory_space<vmem>>) semaphore(%run_scoped3A_166 : memref<!tpu.dma_semaphore, #tpu.memory_space<semaphore_mem>>) {add = true}
      %dma_wait3A_177 = arith.constant 0 : i32
      %dma_wait3A_178 = arith.constant 0 : i32
      %dma_wait3A_179 = tpu.memref_slice %arg9[%run_scoped3A_112, %dma_wait3A_177, %dma_wait3A_178] : memref<2x2000x8xf32, #tpu.memory_space<vmem>> -> memref<1x2000x8xf32, #tpu.memory_space<vmem>>
      %dma_wait3A_180 = tpu.memref_squeeze %dma_wait3A_179 : memref<1x2000x8xf32, #tpu.memory_space<vmem>> -> memref<2000x8xf32, #tpu.memory_space<vmem>>
      %dma_wait3A_181 = arith.constant 0 : i32
      %dma_wait3A_182 = tpu.memref_slice %arg8[%run_scoped3A_113, %dma_wait3A_181] : memref<2x2000xi32, #tpu.memory_space<vmem>> -> memref<1x2000xi32, #tpu.memory_space<vmem>>
      %dma_wait3A_183 = tpu.memref_squeeze %dma_wait3A_182 : memref<1x2000xi32, #tpu.memory_space<vmem>> -> memref<2000xi32, #tpu.memory_space<vmem>>
      %dma_wait3A_184 = arith.constant 0 : i32
      %dma_wait3A_185 = arith.constant 0 : i32
      %dma_wait3A_186 = tpu.memref_slice %arg10[%dma_wait3A_184, %dma_wait3A_185] : memref<10000x8xf32, #tpu.memory_space<vmem_shared>> -> memref<10000x8xf32, #tpu.memory_space<vmem_shared>>
      tpu.wait_indirect_dma semaphore(%run_scoped3A_166 : memref<!tpu.dma_semaphore, #tpu.memory_space<semaphore_mem>>) src(%dma_wait3A_180 : memref<2000x8xf32, #tpu.memory_space<vmem>>) dst(%dma_wait3A_186 : memref<10000x8xf32, #tpu.memory_space<vmem_shared>>)
      tpu.yield
    }) : () -> ()
    %mul3A_114 = arith.constant 10000 : i32
    %mul3A_115 = arith.muli %add3A, %mul3A_114 : i32
    %add3A_116 = arith.constant 8000 : i32
    %add3A_117 = arith.addi %mul3A_115, %add3A_116 : i32
    %run_scoped3A_118 = arith.constant 0 : i32
    "tpu.region"() ({
      %run_scoped3A_166 = tpu.sem_alloc : memref<!tpu.dma_semaphore, #tpu.memory_space<semaphore_mem>>
      %dma_start3A_167 = arith.constant 0 : i32
      %dma_start3A_168 = tpu.memref_slice %arg7[%run_scoped3A_118, %dma_start3A_167] : memref<2x2000xi32, #tpu.memory_space<vmem>> -> memref<1x2000xi32, #tpu.memory_space<vmem>>
      %dma_start3A_169 = tpu.memref_squeeze %dma_start3A_168 : memref<1x2000xi32, #tpu.memory_space<vmem>> -> memref<2000xi32, #tpu.memory_space<vmem>>
      %dma_start3A_170 = tpu.memref_slice %arg2[%add3A_117] : memref<320000xi32, #tpu.memory_space<hbm>> -> memref<2000xi32, #tpu.memory_space<hbm>>
      %dma_start3A_171 = arith.constant 0 : i32
      %dma_start3A_172 = tpu.memref_slice %arg7[%run_scoped3A_118, %dma_start3A_171] : memref<2x2000xi32, #tpu.memory_space<vmem>> -> memref<1x2000xi32, #tpu.memory_space<vmem>>
      %dma_start3A_173 = tpu.memref_squeeze %dma_start3A_172 : memref<1x2000xi32, #tpu.memory_space<vmem>> -> memref<2000xi32, #tpu.memory_space<vmem>>
      %dma_start3A_174 = tpu.memref_slice %arg2[%add3A_117] : memref<320000xi32, #tpu.memory_space<hbm>> -> memref<2000xi32, #tpu.memory_space<hbm>>
      tpu.enqueue_dma source(%dma_start3A_174 : memref<2000xi32, #tpu.memory_space<hbm>>) target(%dma_start3A_173 : memref<2000xi32, #tpu.memory_space<vmem>>) target_semaphore(%run_scoped3A_166 : memref<!tpu.dma_semaphore, #tpu.memory_space<semaphore_mem>>)
      %dma_wait3A_175 = arith.constant 0 : i32
      %dma_wait3A_176 = tpu.memref_slice %arg7[%run_scoped3A_118, %dma_wait3A_175] : memref<2x2000xi32, #tpu.memory_space<vmem>> -> memref<1x2000xi32, #tpu.memory_space<vmem>>
      %dma_wait3A_177 = tpu.memref_squeeze %dma_wait3A_176 : memref<1x2000xi32, #tpu.memory_space<vmem>> -> memref<2000xi32, #tpu.memory_space<vmem>>
      %dma_wait3A_178 = tpu.memref_slice %arg2[%add3A_117] : memref<320000xi32, #tpu.memory_space<hbm>> -> memref<2000xi32, #tpu.memory_space<hbm>>
      %dma_wait3A_179 = arith.constant 0 : i32
      %dma_wait3A_180 = tpu.memref_slice %arg7[%run_scoped3A_118, %dma_wait3A_179] : memref<2x2000xi32, #tpu.memory_space<vmem>> -> memref<1x2000xi32, #tpu.memory_space<vmem>>
      %dma_wait3A_181 = tpu.memref_squeeze %dma_wait3A_180 : memref<1x2000xi32, #tpu.memory_space<vmem>> -> memref<2000xi32, #tpu.memory_space<vmem>>
      %dma_wait3A_182 = tpu.memref_slice %arg2[%add3A_117] : memref<320000xi32, #tpu.memory_space<hbm>> -> memref<2000xi32, #tpu.memory_space<hbm>>
      tpu.wait_dma2 semaphore(%run_scoped3A_166 : memref<!tpu.dma_semaphore, #tpu.memory_space<semaphore_mem>>) src(%dma_wait3A_182 : memref<2000xi32, #tpu.memory_space<hbm>>) dst(%dma_wait3A_181 : memref<2000xi32, #tpu.memory_space<vmem>>)
      tpu.yield
    }) : () -> ()
    %run_scoped3A_119 = arith.constant 0 : i32
    "tpu.region"() ({
      %run_scoped3A_166 = tpu.sem_alloc : memref<!tpu.dma_semaphore, #tpu.memory_space<semaphore_mem>>
      %dma_start3A_167 = arith.constant 0 : i32
      %dma_start3A_168 = tpu.memref_slice %arg8[%run_scoped3A_119, %dma_start3A_167] : memref<2x2000xi32, #tpu.memory_space<vmem>> -> memref<1x2000xi32, #tpu.memory_space<vmem>>
      %dma_start3A_169 = tpu.memref_squeeze %dma_start3A_168 : memref<1x2000xi32, #tpu.memory_space<vmem>> -> memref<2000xi32, #tpu.memory_space<vmem>>
      %dma_start3A_170 = tpu.memref_slice %arg3[%add3A_117] : memref<320000xi32, #tpu.memory_space<hbm>> -> memref<2000xi32, #tpu.memory_space<hbm>>
      %dma_start3A_171 = arith.constant 0 : i32
      %dma_start3A_172 = tpu.memref_slice %arg8[%run_scoped3A_119, %dma_start3A_171] : memref<2x2000xi32, #tpu.memory_space<vmem>> -> memref<1x2000xi32, #tpu.memory_space<vmem>>
      %dma_start3A_173 = tpu.memref_squeeze %dma_start3A_172 : memref<1x2000xi32, #tpu.memory_space<vmem>> -> memref<2000xi32, #tpu.memory_space<vmem>>
      %dma_start3A_174 = tpu.memref_slice %arg3[%add3A_117] : memref<320000xi32, #tpu.memory_space<hbm>> -> memref<2000xi32, #tpu.memory_space<hbm>>
      tpu.enqueue_dma source(%dma_start3A_174 : memref<2000xi32, #tpu.memory_space<hbm>>) target(%dma_start3A_173 : memref<2000xi32, #tpu.memory_space<vmem>>) target_semaphore(%run_scoped3A_166 : memref<!tpu.dma_semaphore, #tpu.memory_space<semaphore_mem>>)
      %dma_wait3A_175 = arith.constant 0 : i32
      %dma_wait3A_176 = tpu.memref_slice %arg8[%run_scoped3A_119, %dma_wait3A_175] : memref<2x2000xi32, #tpu.memory_space<vmem>> -> memref<1x2000xi32, #tpu.memory_space<vmem>>
      %dma_wait3A_177 = tpu.memref_squeeze %dma_wait3A_176 : memref<1x2000xi32, #tpu.memory_space<vmem>> -> memref<2000xi32, #tpu.memory_space<vmem>>
      %dma_wait3A_178 = tpu.memref_slice %arg3[%add3A_117] : memref<320000xi32, #tpu.memory_space<hbm>> -> memref<2000xi32, #tpu.memory_space<hbm>>
      %dma_wait3A_179 = arith.constant 0 : i32
      %dma_wait3A_180 = tpu.memref_slice %arg8[%run_scoped3A_119, %dma_wait3A_179] : memref<2x2000xi32, #tpu.memory_space<vmem>> -> memref<1x2000xi32, #tpu.memory_space<vmem>>
      %dma_wait3A_181 = tpu.memref_squeeze %dma_wait3A_180 : memref<1x2000xi32, #tpu.memory_space<vmem>> -> memref<2000xi32, #tpu.memory_space<vmem>>
      %dma_wait3A_182 = tpu.memref_slice %arg3[%add3A_117] : memref<320000xi32, #tpu.memory_space<hbm>> -> memref<2000xi32, #tpu.memory_space<hbm>>
      tpu.wait_dma2 semaphore(%run_scoped3A_166 : memref<!tpu.dma_semaphore, #tpu.memory_space<semaphore_mem>>) src(%dma_wait3A_182 : memref<2000xi32, #tpu.memory_space<hbm>>) dst(%dma_wait3A_181 : memref<2000xi32, #tpu.memory_space<vmem>>)
      tpu.yield
    }) : () -> ()
    %dma_start3A_120 = arith.constant 0 : i32
    %dma_start3A_121 = arith.constant 0 : i32
    %dma_start3A_122 = arith.constant 0 : i32
    %dma_start3A_123 = arith.constant 0 : i32
    %dma_start3A_124 = tpu.memref_slice %arg9[%dma_start3A_121, %dma_start3A_122, %dma_start3A_123] : memref<2x2000x8xf32, #tpu.memory_space<vmem>> -> memref<1x2000x8xf32, #tpu.memory_space<vmem>>
    %dma_start3A_125 = tpu.memref_squeeze %dma_start3A_124 : memref<1x2000x8xf32, #tpu.memory_space<vmem>> -> memref<2000x8xf32, #tpu.memory_space<vmem>>
    %dma_start3A_126 = arith.constant 0 : i32
    %dma_start3A_127 = tpu.memref_slice %arg7[%dma_start3A_120, %dma_start3A_126] : memref<2x2000xi32, #tpu.memory_space<vmem>> -> memref<1x2000xi32, #tpu.memory_space<vmem>>
    %dma_start3A_128 = tpu.memref_squeeze %dma_start3A_127 : memref<1x2000xi32, #tpu.memory_space<vmem>> -> memref<2000xi32, #tpu.memory_space<vmem>>
    %dma_start3A_129 = arith.constant 0 : i32
    %dma_start3A_130 = arith.constant 0 : i32
    %dma_start3A_131 = tpu.memref_slice %arg4[%dma_start3A_129, %dma_start3A_130] : memref<10000x8xf32, #tpu.memory_space<hbm>> -> memref<10000x8xf32, #tpu.memory_space<hbm>>
    tpu.enqueue_indirect_dma source(%dma_start3A_131 : memref<10000x8xf32, #tpu.memory_space<hbm>>) target(%dma_start3A_125 : memref<2000x8xf32, #tpu.memory_space<vmem>>) offsets(%dma_start3A_128 : memref<2000xi32, #tpu.memory_space<vmem>>) semaphore(%arg11 : memref<!tpu.dma_semaphore, #tpu.memory_space<semaphore_mem>>)
    %dma_wait3A_132 = arith.constant 1 : i32
    %dma_wait3A_133 = arith.constant 1 : i32
    %dma_wait3A_134 = arith.constant 0 : i32
    %dma_wait3A_135 = arith.constant 0 : i32
    %dma_wait3A_136 = tpu.memref_slice %arg9[%dma_wait3A_133, %dma_wait3A_134, %dma_wait3A_135] : memref<2x2000x8xf32, #tpu.memory_space<vmem>> -> memref<1x2000x8xf32, #tpu.memory_space<vmem>>
    %dma_wait3A_137 = tpu.memref_squeeze %dma_wait3A_136 : memref<1x2000x8xf32, #tpu.memory_space<vmem>> -> memref<2000x8xf32, #tpu.memory_space<vmem>>
    %dma_wait3A_138 = arith.constant 0 : i32
    %dma_wait3A_139 = tpu.memref_slice %arg7[%dma_wait3A_132, %dma_wait3A_138] : memref<2x2000xi32, #tpu.memory_space<vmem>> -> memref<1x2000xi32, #tpu.memory_space<vmem>>
    %dma_wait3A_140 = tpu.memref_squeeze %dma_wait3A_139 : memref<1x2000xi32, #tpu.memory_space<vmem>> -> memref<2000xi32, #tpu.memory_space<vmem>>
    %dma_wait3A_141 = arith.constant 0 : i32
    %dma_wait3A_142 = arith.constant 0 : i32
    %dma_wait3A_143 = tpu.memref_slice %arg4[%dma_wait3A_141, %dma_wait3A_142] : memref<10000x8xf32, #tpu.memory_space<hbm>> -> memref<10000x8xf32, #tpu.memory_space<hbm>>
    tpu.wait_indirect_dma semaphore(%arg12 : memref<!tpu.dma_semaphore, #tpu.memory_space<semaphore_mem>>) src(%dma_wait3A_143 : memref<10000x8xf32, #tpu.memory_space<hbm>>) dst(%dma_wait3A_137 : memref<2000x8xf32, #tpu.memory_space<vmem>>)
    %run_scoped3A_144 = arith.constant 1 : i32
    %run_scoped3A_145 = arith.constant 1 : i32
    "tpu.region"() ({
      %run_scoped3A_166 = tpu.sem_alloc : memref<!tpu.dma_semaphore, #tpu.memory_space<semaphore_mem>>
      %dma_start3A_167 = arith.constant 0 : i32
      %dma_start3A_168 = arith.constant 0 : i32
      %dma_start3A_169 = tpu.memref_slice %arg9[%run_scoped3A_144, %dma_start3A_167, %dma_start3A_168] : memref<2x2000x8xf32, #tpu.memory_space<vmem>> -> memref<1x2000x8xf32, #tpu.memory_space<vmem>>
      %dma_start3A_170 = tpu.memref_squeeze %dma_start3A_169 : memref<1x2000x8xf32, #tpu.memory_space<vmem>> -> memref<2000x8xf32, #tpu.memory_space<vmem>>
      %dma_start3A_171 = arith.constant 0 : i32
      %dma_start3A_172 = tpu.memref_slice %arg8[%run_scoped3A_145, %dma_start3A_171] : memref<2x2000xi32, #tpu.memory_space<vmem>> -> memref<1x2000xi32, #tpu.memory_space<vmem>>
      %dma_start3A_173 = tpu.memref_squeeze %dma_start3A_172 : memref<1x2000xi32, #tpu.memory_space<vmem>> -> memref<2000xi32, #tpu.memory_space<vmem>>
      %dma_start3A_174 = arith.constant 0 : i32
      %dma_start3A_175 = arith.constant 0 : i32
      %dma_start3A_176 = tpu.memref_slice %arg10[%dma_start3A_174, %dma_start3A_175] : memref<10000x8xf32, #tpu.memory_space<vmem_shared>> -> memref<10000x8xf32, #tpu.memory_space<vmem_shared>>
      tpu.enqueue_indirect_dma source(%dma_start3A_170 : memref<2000x8xf32, #tpu.memory_space<vmem>>) target(%dma_start3A_176 : memref<10000x8xf32, #tpu.memory_space<vmem_shared>>) offsets(%dma_start3A_173 : memref<2000xi32, #tpu.memory_space<vmem>>) semaphore(%run_scoped3A_166 : memref<!tpu.dma_semaphore, #tpu.memory_space<semaphore_mem>>) {add = true}
      %dma_wait3A_177 = arith.constant 0 : i32
      %dma_wait3A_178 = arith.constant 0 : i32
      %dma_wait3A_179 = tpu.memref_slice %arg9[%run_scoped3A_144, %dma_wait3A_177, %dma_wait3A_178] : memref<2x2000x8xf32, #tpu.memory_space<vmem>> -> memref<1x2000x8xf32, #tpu.memory_space<vmem>>
      %dma_wait3A_180 = tpu.memref_squeeze %dma_wait3A_179 : memref<1x2000x8xf32, #tpu.memory_space<vmem>> -> memref<2000x8xf32, #tpu.memory_space<vmem>>
      %dma_wait3A_181 = arith.constant 0 : i32
      %dma_wait3A_182 = tpu.memref_slice %arg8[%run_scoped3A_145, %dma_wait3A_181] : memref<2x2000xi32, #tpu.memory_space<vmem>> -> memref<1x2000xi32, #tpu.memory_space<vmem>>
      %dma_wait3A_183 = tpu.memref_squeeze %dma_wait3A_182 : memref<1x2000xi32, #tpu.memory_space<vmem>> -> memref<2000xi32, #tpu.memory_space<vmem>>
      %dma_wait3A_184 = arith.constant 0 : i32
      %dma_wait3A_185 = arith.constant 0 : i32
      %dma_wait3A_186 = tpu.memref_slice %arg10[%dma_wait3A_184, %dma_wait3A_185] : memref<10000x8xf32, #tpu.memory_space<vmem_shared>> -> memref<10000x8xf32, #tpu.memory_space<vmem_shared>>
      tpu.wait_indirect_dma semaphore(%run_scoped3A_166 : memref<!tpu.dma_semaphore, #tpu.memory_space<semaphore_mem>>) src(%dma_wait3A_180 : memref<2000x8xf32, #tpu.memory_space<vmem>>) dst(%dma_wait3A_186 : memref<10000x8xf32, #tpu.memory_space<vmem_shared>>)
      tpu.yield
    }) : () -> ()
    %dma_wait3A_146 = arith.constant 0 : i32
    %dma_wait3A_147 = arith.constant 0 : i32
    %dma_wait3A_148 = arith.constant 0 : i32
    %dma_wait3A_149 = arith.constant 0 : i32
    %dma_wait3A_150 = tpu.memref_slice %arg9[%dma_wait3A_147, %dma_wait3A_148, %dma_wait3A_149] : memref<2x2000x8xf32, #tpu.memory_space<vmem>> -> memref<1x2000x8xf32, #tpu.memory_space<vmem>>
    %dma_wait3A_151 = tpu.memref_squeeze %dma_wait3A_150 : memref<1x2000x8xf32, #tpu.memory_space<vmem>> -> memref<2000x8xf32, #tpu.memory_space<vmem>>
    %dma_wait3A_152 = arith.constant 0 : i32
    %dma_wait3A_153 = tpu.memref_slice %arg7[%dma_wait3A_146, %dma_wait3A_152] : memref<2x2000xi32, #tpu.memory_space<vmem>> -> memref<1x2000xi32, #tpu.memory_space<vmem>>
    %dma_wait3A_154 = tpu.memref_squeeze %dma_wait3A_153 : memref<1x2000xi32, #tpu.memory_space<vmem>> -> memref<2000xi32, #tpu.memory_space<vmem>>
    %dma_wait3A_155 = arith.constant 0 : i32
    %dma_wait3A_156 = arith.constant 0 : i32
    %dma_wait3A_157 = tpu.memref_slice %arg4[%dma_wait3A_155, %dma_wait3A_156] : memref<10000x8xf32, #tpu.memory_space<hbm>> -> memref<10000x8xf32, #tpu.memory_space<hbm>>
    tpu.wait_indirect_dma semaphore(%arg11 : memref<!tpu.dma_semaphore, #tpu.memory_space<semaphore_mem>>) src(%dma_wait3A_157 : memref<10000x8xf32, #tpu.memory_space<hbm>>) dst(%dma_wait3A_151 : memref<2000x8xf32, #tpu.memory_space<vmem>>)
    %run_scoped3A_158 = arith.constant 0 : i32
    %run_scoped3A_159 = arith.constant 0 : i32
    "tpu.region"() ({
      %run_scoped3A_166 = tpu.sem_alloc : memref<!tpu.dma_semaphore, #tpu.memory_space<semaphore_mem>>
      %dma_start3A_167 = arith.constant 0 : i32
      %dma_start3A_168 = arith.constant 0 : i32
      %dma_start3A_169 = tpu.memref_slice %arg9[%run_scoped3A_158, %dma_start3A_167, %dma_start3A_168] : memref<2x2000x8xf32, #tpu.memory_space<vmem>> -> memref<1x2000x8xf32, #tpu.memory_space<vmem>>
      %dma_start3A_170 = tpu.memref_squeeze %dma_start3A_169 : memref<1x2000x8xf32, #tpu.memory_space<vmem>> -> memref<2000x8xf32, #tpu.memory_space<vmem>>
      %dma_start3A_171 = arith.constant 0 : i32
      %dma_start3A_172 = tpu.memref_slice %arg8[%run_scoped3A_159, %dma_start3A_171] : memref<2x2000xi32, #tpu.memory_space<vmem>> -> memref<1x2000xi32, #tpu.memory_space<vmem>>
      %dma_start3A_173 = tpu.memref_squeeze %dma_start3A_172 : memref<1x2000xi32, #tpu.memory_space<vmem>> -> memref<2000xi32, #tpu.memory_space<vmem>>
      %dma_start3A_174 = arith.constant 0 : i32
      %dma_start3A_175 = arith.constant 0 : i32
      %dma_start3A_176 = tpu.memref_slice %arg10[%dma_start3A_174, %dma_start3A_175] : memref<10000x8xf32, #tpu.memory_space<vmem_shared>> -> memref<10000x8xf32, #tpu.memory_space<vmem_shared>>
      tpu.enqueue_indirect_dma source(%dma_start3A_170 : memref<2000x8xf32, #tpu.memory_space<vmem>>) target(%dma_start3A_176 : memref<10000x8xf32, #tpu.memory_space<vmem_shared>>) offsets(%dma_start3A_173 : memref<2000xi32, #tpu.memory_space<vmem>>) semaphore(%run_scoped3A_166 : memref<!tpu.dma_semaphore, #tpu.memory_space<semaphore_mem>>) {add = true}
      %dma_wait3A_177 = arith.constant 0 : i32
      %dma_wait3A_178 = arith.constant 0 : i32
      %dma_wait3A_179 = tpu.memref_slice %arg9[%run_scoped3A_158, %dma_wait3A_177, %dma_wait3A_178] : memref<2x2000x8xf32, #tpu.memory_space<vmem>> -> memref<1x2000x8xf32, #tpu.memory_space<vmem>>
      %dma_wait3A_180 = tpu.memref_squeeze %dma_wait3A_179 : memref<1x2000x8xf32, #tpu.memory_space<vmem>> -> memref<2000x8xf32, #tpu.memory_space<vmem>>
      %dma_wait3A_181 = arith.constant 0 : i32
      %dma_wait3A_182 = tpu.memref_slice %arg8[%run_scoped3A_159, %dma_wait3A_181] : memref<2x2000xi32, #tpu.memory_space<vmem>> -> memref<1x2000xi32, #tpu.memory_space<vmem>>
      %dma_wait3A_183 = tpu.memref_squeeze %dma_wait3A_182 : memref<1x2000xi32, #tpu.memory_space<vmem>> -> memref<2000xi32, #tpu.memory_space<vmem>>
      %dma_wait3A_184 = arith.constant 0 : i32
      %dma_wait3A_185 = arith.constant 0 : i32
      %dma_wait3A_186 = tpu.memref_slice %arg10[%dma_wait3A_184, %dma_wait3A_185] : memref<10000x8xf32, #tpu.memory_space<vmem_shared>> -> memref<10000x8xf32, #tpu.memory_space<vmem_shared>>
      tpu.wait_indirect_dma semaphore(%run_scoped3A_166 : memref<!tpu.dma_semaphore, #tpu.memory_space<semaphore_mem>>) src(%dma_wait3A_180 : memref<2000x8xf32, #tpu.memory_space<vmem>>) dst(%dma_wait3A_186 : memref<10000x8xf32, #tpu.memory_space<vmem_shared>>)
      tpu.yield
    }) : () -> ()
    %barrier3A_160 = arith.constant 0 : index
    tpu.barrier barrier_id(%barrier3A_160)
    %eq3A_161 = arith.constant 0 : i32
    %eq3A_162 = arith.cmpi eq, %arg1, %eq3A_161 : i32
    %convert_element_type3A_163 = arith.extui %eq3A_162 : i1 to i32
    %cond3A_164 = arith.constant 0 : i32
    %cond3A_165 = arith.cmpi ne, %convert_element_type3A_163, %cond3A_164 : i32
    scf.if %cond3A_165 {
      "tpu.region"() ({
        %run_scoped3A_166 = tpu.sem_alloc : memref<!tpu.dma_semaphore, #tpu.memory_space<semaphore_mem>>
        %dma_start3A_167 = arith.constant 0 : i32
        %dma_start3A_168 = arith.constant 0 : i32
        %dma_start3A_169 = tpu.memref_slice %arg6[%arg0, %dma_start3A_167, %dma_start3A_168] : memref<2x10000x8xf32, #tpu.memory_space<hbm>> -> memref<1x10000x8xf32, #tpu.memory_space<hbm>>
        %dma_start3A_170 = tpu.memref_squeeze %dma_start3A_169 : memref<1x10000x8xf32, #tpu.memory_space<hbm>> -> memref<10000x8xf32, #tpu.memory_space<hbm>>
        tpu.enqueue_dma source(%arg10 : memref<10000x8xf32, #tpu.memory_space<vmem_shared>>) target(%dma_start3A_170 : memref<10000x8xf32, #tpu.memory_space<hbm>>) target_semaphore(%run_scoped3A_166 : memref<!tpu.dma_semaphore, #tpu.memory_space<semaphore_mem>>)
        %dma_wait3A_171 = arith.constant 0 : i32
        %dma_wait3A_172 = arith.constant 0 : i32
        %dma_wait3A_173 = tpu.memref_slice %arg6[%arg0, %dma_wait3A_171, %dma_wait3A_172] : memref<2x10000x8xf32, #tpu.memory_space<hbm>> -> memref<1x10000x8xf32, #tpu.memory_space<hbm>>
        %dma_wait3A_174 = tpu.memref_squeeze %dma_wait3A_173 : memref<1x10000x8xf32, #tpu.memory_space<hbm>> -> memref<10000x8xf32, #tpu.memory_space<hbm>>
        tpu.wait_dma2 semaphore(%run_scoped3A_166 : memref<!tpu.dma_semaphore, #tpu.memory_space<semaphore_mem>>) src(%arg10 : memref<10000x8xf32, #tpu.memory_space<vmem_shared>>) dst(%dma_wait3A_174 : memref<10000x8xf32, #tpu.memory_space<hbm>>)
        tpu.yield
      }) : () -> ()
    } else {
    }
    return
  }
}

module attributes {stable_mosaic.version = 14 : i64} {
  func.func @_mm_body(%arg0: i32, %arg1: memref<400x10000xf32, #tpu.memory_space<vmem>>, %arg2: memref<10000x5xf32, #tpu.memory_space<vmem>>, %arg3: memref<2x400x1xf32, #tpu.memory_space<vmem>>, %arg4: memref<400x8xf32, #tpu.memory_space<vmem>>, %arg5: memref<400x1xf32, #tpu.memory_space<vmem>>) attributes {dimension_semantics = [#tpu.dimension_semantics<arbitrary>], iteration_bounds = array<i64: 25>, scalar_prefetch = 0 : i64, scratch_operands = 0 : i64, tpu.core_type = #tpu.core_type<tc>, window_params = [{transform_indices = @transform_0, window_bounds = array<i64: 400, 10000>}, {pipeline_mode = #tpu.pipeline_mode<synchronous>, transform_indices = @transform_1, window_bounds = array<i64: 10000, 5>}, {transform_indices = @transform_2, window_bounds = array<i64: 2, 400, 1>}, {transform_indices = @transform_3, window_bounds = array<i64: 400, 8>}, {transform_indices = @transform_4, window_bounds = array<i64: 400, 1>}]} {
    %get3A = arith.constant 0 : index
    %get3A_0 = arith.constant 0 : index
    %get3A_1 = vector.load %arg1[%get3A, %get3A_0] : memref<400x10000xf32, #tpu.memory_space<vmem>>, vector<400x10000xf32>
    %get3A_2 = arith.constant 0 : index
    %get3A_3 = arith.constant 0 : index
    %get3A_4 = vector.load %arg2[%get3A_2, %get3A_3] : memref<10000x5xf32, #tpu.memory_space<vmem>>, vector<10000x5xf32>
    %dot_general3A = arith.constant dense<0.000000e+00> : vector<400x5xf32>
    %dot_general3A_5 = tpu.matmul %get3A_1, %get3A_4, %dot_general3A {dimension_numbers = #tpu.dot_dimension_numbers<[1], [0], [0], [1], [0, 0, 1, 1], [], []>, transpose_lhs_hint = false} : vector<400x10000xf32>, vector<10000x5xf32>, vector<400x5xf32> -> vector<400x5xf32>
    %get3A_6 = arith.constant 0 : index
    %get3A_7 = arith.constant 0 : index
    %get3A_8 = arith.constant 0 : index
    %get3A_9 = vector.load %arg3[%get3A_6, %get3A_7, %get3A_8] : memref<2x400x1xf32, #tpu.memory_space<vmem>>, vector<1x400x1xf32>
    %get3A_10 = vector.shape_cast %get3A_9 : vector<1x400x1xf32> to vector<400x1xf32>
    %get3A_11 = arith.constant 1 : index
    %get3A_12 = arith.constant 0 : index
    %get3A_13 = arith.constant 0 : index
    %get3A_14 = vector.load %arg3[%get3A_11, %get3A_12, %get3A_13] : memref<2x400x1xf32, #tpu.memory_space<vmem>>, vector<1x400x1xf32>
    %get3A_15 = vector.shape_cast %get3A_14 : vector<1x400x1xf32> to vector<400x1xf32>
    %add3A = arith.addf %get3A_10, %get3A_15 : vector<400x1xf32>
    %add3A_16 = arith.constant 1.000000e+00 : f32
    %add3A_17 = vector.broadcast %add3A_16 : f32 to vector<400x1xf32>
    %add3A_18 = arith.addf %add3A, %add3A_17 : vector<400x1xf32>
    %rsqrt3A = math.rsqrt %add3A_18 : vector<400x1xf32>
    %swap3A = arith.constant 0 : index
    %swap3A_19 = arith.constant 0 : index
    %swap3A_20 = vector.load %arg5[%swap3A, %swap3A_19] : memref<400x1xf32, #tpu.memory_space<vmem>>, vector<400x1xf32>
    tpu.vector_store %arg5[%swap3A, %swap3A_19], %rsqrt3A {strides = array<i32>} : memref<400x1xf32, #tpu.memory_space<vmem>>, vector<400x1xf32>,
    %mul3A = vector.broadcast %rsqrt3A : vector<400x1xf32> to vector<400x5xf32>
    %mul3A_21 = arith.mulf %dot_general3A_5, %mul3A : vector<400x5xf32>
    %broadcast_in_dim3A = arith.constant 0.000000e+00 : f32
    %broadcast_in_dim3A_22 = vector.broadcast %broadcast_in_dim3A : f32 to vector<400x3xf32>
    %concatenate3A = tpu.concatenate %mul3A_21, %broadcast_in_dim3A_22 in 1 : vector<400x5xf32>, vector<400x3xf32> -> vector<400x8xf32>
    %swap3A_23 = arith.constant 0 : index
    %swap3A_24 = arith.constant 0 : index
    %swap3A_25 = vector.load %arg4[%swap3A_23, %swap3A_24] : memref<400x8xf32, #tpu.memory_space<vmem>>, vector<400x8xf32>
    tpu.vector_store %arg4[%swap3A_23, %swap3A_24], %concatenate3A {strides = array<i32>} : memref<400x8xf32, #tpu.memory_space<vmem>>, vector<400x8xf32>,
    return
  }
  func.func @transform_0(%arg0: i32) -> (i32, i32) {
    %c0_i32 = arith.constant 0 : i32
    %c0_i32_0 = arith.constant 0 : i32
    return %arg0, %c0_i32 : i32, i32
  }
  func.func @transform_1(%arg0: i32) -> (i32, i32) {
    %c0_i32 = arith.constant 0 : i32
    %c0_i32_0 = arith.constant 0 : i32
    %c0_i32_1 = arith.constant 0 : i32
    return %c0_i32, %c0_i32_0 : i32, i32
  }
  func.func @transform_2(%arg0: i32) -> (i32, i32, i32) {
    %c0_i32 = arith.constant 0 : i32
    %c0_i32_0 = arith.constant 0 : i32
    %c0_i32_1 = arith.constant 0 : i32
    return %c0_i32, %arg0, %c0_i32_0 : i32, i32, i32
  }
  func.func @transform_3(%arg0: i32) -> (i32, i32) {
    %c0_i32 = arith.constant 0 : i32
    %c0_i32_0 = arith.constant 0 : i32
    return %arg0, %c0_i32 : i32, i32
  }
  func.func @transform_4(%arg0: i32) -> (i32, i32) {
    %c0_i32 = arith.constant 0 : i32
    %c0_i32_0 = arith.constant 0 : i32
    return %arg0, %c0_i32 : i32, i32
  }
}

module attributes {stable_mosaic.version = 14 : i64} {
  func.func @_mid_body(%arg0: memref<2x10000x8xf32, #tpu.memory_space<vmem>>, %arg1: memref<10000x8xf32, #tpu.memory_space<vmem>>, %arg2: memref<10000x1xf32, #tpu.memory_space<vmem>>, %arg3: memref<1x8xf32, #tpu.memory_space<vmem>>, %arg4: memref<1x8xf32, #tpu.memory_space<vmem>>, %arg5: memref<10000x1xf32, #tpu.memory_space<vmem>>) attributes {dimension_semantics = [], scalar_prefetch = 0 : i64, scratch_operands = 0 : i64, tpu.core_type = #tpu.core_type<tc>} {
    %get3A = arith.constant 0 : index
    %get3A_0 = arith.constant 0 : index
    %get3A_1 = arith.constant 0 : index
    %get3A_2 = vector.load %arg0[%get3A, %get3A_0, %get3A_1] : memref<2x10000x8xf32, #tpu.memory_space<vmem>>, vector<1x10000x8xf32>
    %get3A_3 = vector.shape_cast %get3A_2 : vector<1x10000x8xf32> to vector<10000x8xf32>
    %get3A_4 = arith.constant 1 : index
    %get3A_5 = arith.constant 0 : index
    %get3A_6 = arith.constant 0 : index
    %get3A_7 = vector.load %arg0[%get3A_4, %get3A_5, %get3A_6] : memref<2x10000x8xf32, #tpu.memory_space<vmem>>, vector<1x10000x8xf32>
    %get3A_8 = vector.shape_cast %get3A_7 : vector<1x10000x8xf32> to vector<10000x8xf32>
    %add3A = arith.addf %get3A_3, %get3A_8 : vector<10000x8xf32>
    %get3A_9 = arith.constant 0 : index
    %get3A_10 = arith.constant 0 : index
    %get3A_11 = vector.load %arg1[%get3A_9, %get3A_10] : memref<10000x8xf32, #tpu.memory_space<vmem>>, vector<10000x8xf32>
    %add3A_12 = arith.addf %add3A, %get3A_11 : vector<10000x8xf32>
    %get3A_13 = arith.constant 0 : index
    %get3A_14 = arith.constant 0 : index
    %get3A_15 = vector.load %arg2[%get3A_13, %get3A_14] : memref<10000x1xf32, #tpu.memory_space<vmem>>, vector<10000x1xf32>
    %mul3A = vector.broadcast %get3A_15 : vector<10000x1xf32> to vector<10000x8xf32>
    %mul3A_16 = arith.mulf %add3A_12, %mul3A : vector<10000x8xf32>
    %get3A_17 = arith.constant 0 : index
    %get3A_18 = arith.constant 0 : index
    %get3A_19 = vector.load %arg3[%get3A_17, %get3A_18] : memref<1x8xf32, #tpu.memory_space<vmem>>, vector<1x8xf32>
    %add3A_20 = vector.broadcast %get3A_19 : vector<1x8xf32> to vector<10000x8xf32>
    %add3A_21 = arith.addf %mul3A_16, %add3A_20 : vector<10000x8xf32>
    %max3A = arith.constant 0.000000e+00 : f32
    %max3A_22 = vector.broadcast %max3A : f32 to vector<10000x8xf32>
    %max3A_23 = arith.maximumf %add3A_21, %max3A_22 : vector<10000x8xf32>
    %get3A_24 = arith.constant 0 : index
    %get3A_25 = arith.constant 0 : index
    %get3A_26 = vector.load %arg4[%get3A_24, %get3A_25] : memref<1x8xf32, #tpu.memory_space<vmem>>, vector<1x8xf32>
    %mul3A_27 = vector.broadcast %get3A_26 : vector<1x8xf32> to vector<10000x8xf32>
    %mul3A_28 = arith.mulf %max3A_23, %mul3A_27 : vector<10000x8xf32>
    %reduce_sum3A = arith.constant dense<0.000000e+00> : vector<10000xf32>
    %reduce_sum3A_29 = vector.multi_reduction <add>, %mul3A_28, %reduce_sum3A [1] : vector<10000x8xf32> to vector<10000xf32>
    %broadcast_in_dim3A = vector.shape_cast %reduce_sum3A_29 : vector<10000xf32> to vector<10000x1xf32>
    %mul3A_30 = arith.mulf %broadcast_in_dim3A, %get3A_15 : vector<10000x1xf32>
    %swap3A = arith.constant 0 : index
    %swap3A_31 = arith.constant 0 : index
    %swap3A_32 = vector.load %arg5[%swap3A, %swap3A_31] : memref<10000x1xf32, #tpu.memory_space<vmem>>, vector<10000x1xf32>
    tpu.vector_store %arg5[%swap3A, %swap3A_31], %mul3A_30 {strides = array<i32>} : memref<10000x1xf32, #tpu.memory_space<vmem>>, vector<10000x1xf32>,
    return
  }
}

module attributes {stable_mosaic.version = 14 : i64} {
  func.func @_final_body(%arg0: memref<2x10000x1xf32, #tpu.memory_space<vmem>>, %arg1: memref<10000x1xf32, #tpu.memory_space<vmem>>, %arg2: memref<10000x1xf32, #tpu.memory_space<vmem>>, %arg3: memref<1x1xf32, #tpu.memory_space<vmem>>, %arg4: memref<10000x1xf32, #tpu.memory_space<vmem>>) attributes {dimension_semantics = [], scalar_prefetch = 0 : i64, scratch_operands = 0 : i64, tpu.core_type = #tpu.core_type<tc>} {
    %get3A = arith.constant 0 : index
    %get3A_0 = arith.constant 0 : index
    %get3A_1 = arith.constant 0 : index
    %get3A_2 = vector.load %arg0[%get3A, %get3A_0, %get3A_1] : memref<2x10000x1xf32, #tpu.memory_space<vmem>>, vector<1x10000x1xf32>
    %get3A_3 = vector.shape_cast %get3A_2 : vector<1x10000x1xf32> to vector<10000x1xf32>
    %get3A_4 = arith.constant 1 : index
    %get3A_5 = arith.constant 0 : index
    %get3A_6 = arith.constant 0 : index
    %get3A_7 = vector.load %arg0[%get3A_4, %get3A_5, %get3A_6] : memref<2x10000x1xf32, #tpu.memory_space<vmem>>, vector<1x10000x1xf32>
    %get3A_8 = vector.shape_cast %get3A_7 : vector<1x10000x1xf32> to vector<10000x1xf32>
    %add3A = arith.addf %get3A_3, %get3A_8 : vector<10000x1xf32>
    %get3A_9 = arith.constant 0 : index
    %get3A_10 = arith.constant 0 : index
    %get3A_11 = vector.load %arg2[%get3A_9, %get3A_10] : memref<10000x1xf32, #tpu.memory_space<vmem>>, vector<10000x1xf32>
    %get3A_12 = arith.constant 0 : index
    %get3A_13 = arith.constant 0 : index
    %get3A_14 = vector.load %arg1[%get3A_12, %get3A_13] : memref<10000x1xf32, #tpu.memory_space<vmem>>, vector<10000x1xf32>
    %add3A_15 = arith.addf %add3A, %get3A_14 : vector<10000x1xf32>
    %mul3A = arith.mulf %get3A_11, %add3A_15 : vector<10000x1xf32>
    %get3A_16 = arith.constant 0 : index
    %get3A_17 = arith.constant 0 : index
    %get3A_18 = vector.load %arg3[%get3A_16, %get3A_17] : memref<1x1xf32, #tpu.memory_space<vmem>>, vector<1x1xf32>
    %add3A_19 = vector.broadcast %get3A_18 : vector<1x1xf32> to vector<10000x1xf32>
    %add3A_20 = arith.addf %mul3A, %add3A_19 : vector<10000x1xf32>
    %reduce_max3A = arith.constant dense<0xFF800000> : vector<10000xf32>
    %reduce_max3A_21 = vector.multi_reduction <maximumf>, %add3A_20, %reduce_max3A [1] : vector<10000x1xf32> to vector<10000xf32>
    %broadcast_in_dim3A = vector.shape_cast %reduce_max3A_21 : vector<10000xf32> to vector<10000x1xf32>
    %sub3A = arith.subf %add3A_20, %broadcast_in_dim3A : vector<10000x1xf32>
    %exp3A = math.exp %sub3A : vector<10000x1xf32>
    %reduce_sum3A = arith.constant dense<0.000000e+00> : vector<10000xf32>
    %reduce_sum3A_22 = vector.multi_reduction <add>, %exp3A, %reduce_sum3A [1] : vector<10000x1xf32> to vector<10000xf32>
    %broadcast_in_dim3A_23 = vector.shape_cast %reduce_sum3A_22 : vector<10000xf32> to vector<10000x1xf32>
    %log3A = math.log %broadcast_in_dim3A_23 : vector<10000x1xf32>
    %add3A_24 = arith.addf %broadcast_in_dim3A, %log3A : vector<10000x1xf32>
    %sub3A_25 = arith.subf %add3A_20, %add3A_24 : vector<10000x1xf32>
    %swap3A = arith.constant 0 : index
    %swap3A_26 = arith.constant 0 : index
    %swap3A_27 = vector.load %arg4[%swap3A, %swap3A_26] : memref<10000x1xf32, #tpu.memory_space<vmem>>, vector<10000x1xf32>
    tpu.vector_store %arg4[%swap3A, %swap3A_26], %sub3A_25 {strides = array<i32>} : memref<10000x1xf32, #tpu.memory_space<vmem>>, vector<10000x1xf32>,
    return
  }
}

</mosaic_0001>

<sc_bundles>
// kernel: kernel.11.cloned.1.call-start
scs
__scs_entry_jumppad:
0x0: {  	(pc) =	sbr.rel $0x88, $3  }
0x1: {  	(tag) =	ssettag $0x0;
	lr =	simm.s32 $0x1  }
0x2: {  	[smem:$0x3F9B] =	sst lr;
	_ =	strace $0xD0000000  }
0x3: {  	_ = 	snop  }
0x4: {  	_ = 	snop  }
0x5: {  	_ = 	snop  }
0x6: {  	_ = 	snop  }
0x7: {  	_ = 	snop  }
__scs_overlays_trampoline_lowered:
0x8: {  	[smem:$0x3FAA] =	sst s0  }
0x9: {  	[smem:$0x3FAB] =	sst s1  }
0xa: {  	[smem:$0x3FAC] =	sst s2  }
0xb: {  	[smem:$0x3FAD] =	sst s3  }
0xc: {  	[smem:$0x3FAE] =	sst s4  }
0xd: {  	[smem:$0x3FAF] =	sst s5  }
0xe: {  	[smem:$0x3FB0] =	sst s6  }
0xf: {  	[smem:$0x3FB1] =	sst s7  }
0x10: {  	[smem:$0x3FB2] =	sst s8  }
0x11: {  	[smem:$0x3FB3] =	sst s9;
	s0 =	simm.s32 @!p0 $0x0  }
0x12: {  	s1 =	sld [smem:$0x3F99];
	s0 =	simm.s32 @p0 $0x1  }
0x13: {  	[smem:$0x3FB4] =	sst s0;
	s0 =	simm.s32 @!p1 $0x0  }
0x14: {  	s2 =	sld [smem:$0x3F98];
	s0 =	simm.s32 @p1 $0x1  }
0x15: {  	[smem:$0x3FB5] =	sst s0;
	s0 =	simm.s32 @!p2 $0x0  }
0x16: {  	s3 =	sld [smem:$0x3FDB];
	s0 =	simm.s32 @p2 $0x1  }
0x17: {  	s4 =	simm.s32 $0x1BF5;
	[smem:$0x3FB7] =	sst s0  }
0x18: {  	s0 =	sld [smem:$0x3F9A];
	_ =	swait.ge [sflag:s4], $0x0  }
0x19: {  	s7 =	sld [smem:$0x3F9B]  }
0x1a: {  	s8 =	sadd.s32 $0xFFFFE003, lr  }
0x1b: {  	s9 =	sadd.s32 $0xFFFFFEF7, lr;
	s5 =	simm.s32 $0xFFFFFFFF;
	p2 =	slt.u32 s8, $0xFFFFF086  }
0x1c: {  	p1 =	slt.u32 s9, $0xF7A;
	s5 =	simm.s32 @!p2 $0x0  }
0x1d: {  	s5 =	simm.s32 @p1 $0x1;
	p0 =	seq.s32 s7, s2  }
0x1e: {  	s7 =	smul.u32 @!p0 $0xF7A, s2;
	p2 =	seq.s32 @!p0 s5, $0x0  }
0x1f: {  	s9 =	smul.u32 $0xF7A, s1;
	s8 =	simm.s32 @!p0 $0x1BF5;
	p2 =	por !p2, p0  }
0x20: {  	[sflag:s8] =	ssyncset.s32 @!p0 $0xFFFFF086;
	s6 =	sadd.s32 @!p0 s3, s7;
	s7 =	simm.s32 @!p0 $0x108  }
0x21: {  	s3 =	sadd.s32 s3, s9;
	s6 =	sadd.s32 @!p0 $0x88, s6;
	s7 =	simm.s32 @p2 $0x1082  }
0x22: {  	[simem:s7], [sflag:s8] =	dma.local @!p0 [hbm:s6], $0xF7A  }
0x23: {  	s9 =	sor.u32 $0xD0000000, s2;
	s6 =	simm.s32 $0x108;
	_ =	swait.ge @!p0 [sflag:s8], $0x0  }
0x24: {  	s3 =	sadd.s32 $0x88, s3;
	s6 =	simm.s32 @!p1 $0x1082;
	[sflag:s4] =	ssyncset.s32 $0xFFFFF086  }
0x25: {  	[simem:s6], [sflag:s4] =	dma.local [hbm:s3], $0xF7A  }
0x26: {  	[smem:$0x3F9B] =	sst s1;
	(tag) =	ssettag s2;
	_ =	strace s9  }
0x27: {  	s1 =	sld [smem:$0x3FAB]  }
0x28: {  	s2 =	sld [smem:$0x3FAC]  }
0x29: {  	s4 =	sld [smem:$0x3FAE]  }
0x2a: {  	p0 =	seq.s32 s5, $0x0;
	s5 =	sld [smem:$0x3FAF]  }
0x2b: {  	s6 =	sld [smem:$0x3FB0]  }
0x2c: {  	s7 =	sld [smem:$0x3FB1]  }
0x2d: {  	s3 =	simm.s32 $0x108;
	s8 =	sld [smem:$0x3FB2]  }
0x2e: {  	s3 =	simm.s32 @!p0 $0x1082;
	s9 =	sld [smem:$0x3FB3]  }
0x2f: {  	lr =	sadd.s32 s0, s3;
	s0 =	sld [smem:$0x3FAA]  }
0x30: {  	s3 =	sld [smem:$0x3FAD]  }
0x31: {  	[smem:$0x3FB6] =	sst s10  }
0x32: {  	s10 =	sld [smem:$0x3FB4];
	_ =	sdelay $0x3  }
0x33: {  	p0 =	seq.s32 s10, $0x1;
	s10 =	sld [smem:$0x3FB6];
	_ =	sdelay $0x3  }
0x34: {  	[smem:$0x3FB6] =	sst s10  }
0x35: {  	s10 =	sld [smem:$0x3FB5];
	_ =	sdelay $0x3  }
0x36: {  	p1 =	seq.s32 s10, $0x1;
	s10 =	sld [smem:$0x3FB6];
	_ =	sdelay $0x3  }
0x37: {  	[smem:$0x3FB6] =	sst s10  }
0x38: {  	s10 =	sld [smem:$0x3FB7]  }
0x39: {  	_ = 	snop;
	(pc) =	sbr.ind lr, $3  }
0x3a: {  	_ = 	snop  }
0x3b: {  	_ = 	snop  }
0x3c: {  	p2 =	seq.s32 s10, $0x1;
	s10 =	sld [smem:$0x3FB6]  }
0x3d: {  	_ =	shalt  }
0x3e: {  	_ =	shalt  }
0x3f: {  	_ =	shalt  }
0x40: {  	_ =	shalt  }
0x41: {  	_ =	shalt  }
0x42: {  	_ =	shalt  }
0x43: {  	_ =	shalt  }
0x44: {  	_ =	shalt  }
0x45: {  	_ =	shalt  }
0x46: {  	_ =	shalt  }
0x47: {  	_ =	shalt  }
0x48: {  	_ =	shalt  }
0x49: {  	_ =	shalt  }
0x4a: {  	_ =	shalt  }
0x4b: {  	_ =	shalt  }
0x4c: {  	_ =	shalt  }
0x4d: {  	_ =	shalt  }
0x4e: {  	_ =	shalt  }
0x4f: {  	_ =	shalt  }
0x50: {  	_ =	shalt  }
0x51: {  	_ =	shalt  }
0x52: {  	_ =	shalt  }
0x53: {  	_ =	shalt  }
0x54: {  	_ =	shalt  }
0x55: {  	_ =	shalt  }
0x56: {  	_ =	shalt  }
0x57: {  	_ =	shalt  }
0x58: {  	_ =	shalt  }
0x59: {  	_ =	shalt  }
0x5a: {  	_ =	shalt  }
0x5b: {  	_ =	shalt  }
0x5c: {  	_ =	shalt  }
0x5d: {  	_ =	shalt  }
0x5e: {  	_ =	shalt  }
0x5f: {  	_ =	shalt  }
0x60: {  	_ =	shalt  }
0x61: {  	_ =	shalt  }
0x62: {  	_ =	shalt  }
0x63: {  	_ =	shalt  }
0x64: {  	_ =	shalt  }
0x65: {  	_ =	shalt  }
0x66: {  	_ =	shalt  }
0x67: {  	_ =	shalt  }
0x68: {  	_ =	shalt  }
0x69: {  	_ =	shalt  }
0x6a: {  	_ =	shalt  }
0x6b: {  	_ =	shalt  }
0x6c: {  	_ =	shalt  }
0x6d: {  	_ =	shalt  }
0x6e: {  	_ =	shalt  }
0x6f: {  	_ =	shalt  }
0x70: {  	_ =	shalt  }
0x71: {  	_ =	shalt  }
0x72: {  	_ =	shalt  }
0x73: {  	_ =	shalt  }
0x74: {  	_ =	shalt  }
0x75: {  	_ =	shalt  }
0x76: {  	_ =	shalt  }
0x77: {  	_ =	shalt  }
0x78: {  	_ =	shalt  }
0x79: {  	_ =	shalt  }
0x7a: {  	_ =	shalt  }
0x7b: {  	_ =	shalt  }
0x7c: {  	_ =	shalt  }
0x7d: {  	_ =	shalt  }
0x7e: {  	_ =	shalt  }
0x7f: {  	_ =	shalt  }
0x80: {  	_ =	shalt  }
0x81: {  	_ =	shalt  }
0x82: {  	_ =	shalt  }
0x83: {  	_ =	shalt  }
0x84: {  	_ =	shalt  }
0x85: {  	_ =	shalt  }
0x86: {  	_ =	shalt  }
0x87: {  	_ =	shalt  }
.Lfunc_end0:
.L_simem_size_0:
called_computation.1_lowered:
.L_overlay_start_0:
0x88: {  	s2 =	sld [smem:$0x3FD9]  }
0x89: {  	s3 =	sld [smem:$0x3FFE];
	_ =	sdelay $0x1  }
0x8a: {  	s1 =	srdreg.scid  }
0x8b: {  	s0 =	sand.u32 $0x1, s1  }
0x8c: {  	s16 =	sshll.u32 s0, $0xA;
	s2 =	sadd.s32 s3, s2  }
0x8d: {  	s2 =	sadd.s32 s2, s16  }
0x8e: {  	[smem:$0x3FC2] =	sst s2  }
0x8f: {  	_ = 	snop  }
0x90: {  	(tm) =	ssettm $0x1  }
0x91: {  	s17 =	sld [smem:$0x3FFB];
	_ =	sdelay $0x3  }
0x92: {  	_ =	strace s17  }
0x93: {  	s2 =	sld [smem:$0x3FFC];
	_ =	sdelay $0x3  }
0x94: {  	_ =	strace s2  }
0x95: {  	s2 =	sld [smem:$0x3FFD];
	_ =	sdelay $0x3  }
0x96: {  	_ =	strace s2  }
0x97: {  	_ =	strace $0x8FFFFFFF  }
0x98: {  	s18 =	sld [smem:$0x3FDB];
	_ =	sdelay $0x1  }
0x99: {  	s19 =	simm.s32 $_scs_section_size  }
0x9a: {  	s4 =	simm.s32 $_size__tile_overlayer_lowered;
	s5 =	simm.s32 $_tile_overlayer_lowered  }
0x9b: {  	s22 =	simm.s32 $0x1BFF;
	s21 =	sshll.u32 s5, $0x1;
	s2 =	sadd.s32 s19, s18  }
0x9c: {  	s6 =	simm.s32 $0x0;
	s20 =	sshll.u32 s4, $0x1;
	s4 =	sadd.s32 s21, s2  }
0x9d: {  	[timem:s6], [sflag:s22] =	dma.local [hbm:s4], s20  }
0x9e: {  	_ =	swait.ge [sflag:s22], s20  }
0x9f: {  	s3 =	ssub.s32 $0x0, s20;
	[sflag:s22] =	ssyncset.done $0x0  }
0xa0: {  	[sflag:s22] =	ssyncadd.s32 s3;
	_ =	sdelay $0x1  }
0xa1: {  	s23 =	simm.s32 $0x1B8B  }
0xa2: {  	_ =	swait.ge [sflag:s23], $0x1  }
0xa3: {  	[sflag:s23] =	ssyncset.done $0x0  }
0xa4: {  	s25 =	simm.s32 $0x1B8E;
	s24 =	sld [smem:$0x3FFE];
	[sflag:s23] =	ssyncadd.s32 $0xFFFFFFFF  }
0xa5: {  	s26 =	simm.s32 $execute0_lowered;
	[smem:$0x3FD2] =	sst s25  }
0xa6: {  	s4 =	sshll.u32 s26, $0x1;
	_ =	strace $0x80000049;
	[dreg:$0x1] =	wrdreg $0xFFFFFFFF  }
0xa7: {  	s28 =	simm.s32 $_size_execute0_lowered;
	s2 =	sadd.s32 s2, s4;
	[dreg:$0x0] =	wrdreg $0x0  }
0xa8: {  	s4 =	sshll.u32 s28, $0x1;
	[dreg:$0x2] =	wrdreg s2  }
0xa9: {  	[dreg:$0x3] =	wrdreg s4  }
0xaa: {  	[dreg:$0x4] =	wrdreg $0xC0  }
0xab: {  	_ =	task [dreg:s6], $0x5FFFF  }
0xac: {  	[dreg:$0x1] =	wrdreg $0xFFFFFFFF  }
0xad: {  	[dreg:$0x0] =	wrdreg $0x60  }
0xae: {  	[dreg:$0x2] =	wrdreg s24  }
0xaf: {  	[dreg:$0x3] =	wrdreg $0x9C400  }
0xb0: {  	[dreg:$0x4] =	wrdreg $0x9  }
0xb1: {  	_ =	task.clear_ibuf [dreg:s6], $0x5FFFF;
	_ =	strace $0x90000049  }
0xb2: {  	s29 =	simm.s32 $0x9;
	_ =	strace $0x8000004B  }
0xb3: {  	_ =	swait.ge [sflag:s29], $0x1  }
0xb4: {  	[sflag:s29] =	ssyncadd.s32 $0xFFFFFFFF  }
0xb5: {  	_ =	strace $0x9000004B  }
0xb6: {  	_ =	sfence  }
0xb7: {  	s30 =	sld [smem:$0x0];
	_ =	sdelay $0x2  }
0xb8: {  	s31 =	sshll.u32 s1, $0xD;
	s1 =	sshrl.u32 s1, $0x2  }
0xb9: {  	s3 =	sand.u32 $0x4000, s31;
	s1 =	sadd.s32 s1, s30  }
0xba: {  	s0 =	sor.u32 s3, s0;
	s1 =	sshll.u32 s1, $0x11  }
0xbb: {  	s0 =	sor.u32 s1, s0  }
0xbc: {  	s0 =	sadd.s32 $0x8F2B, s0  }
0xbd: {  	[sflag:s0] =	ssyncadd.remote.s32 $0x1  }
0xbe: {  	_ =	sfence.sel $0xFFFF  }
0xbf: {  	[dreg:$0x0] =	wrdreg $0xFFFFFFFF;
	(pc) =	sbr.abs _section_cstart, $3  }
0xc0: {  	[dreg:$0x1] =	wrdreg $0xFFFFFFFF  }
0xc1: {  	_ =	task.clear_ibuf [dreg:s6], $0x2FFFF;
	_ =	strace $0x9FFFFFFF  }
0xc2: {  	(tm) =	ssettm $0x7FFFFFFF  }
0xc3: {  	_ =	shalt  }
tec
execute0_lowered:
.L_overlay_start_1:
0x0: {  	(tag) =	ssettag $0x1  }
0x1: {  	s4 =	rddreg [dreg:$0x0]  }
0x2: {  	s1 =	rddreg [dreg:$0x1]  }
0x3: {  	s0 =	rddreg [dreg:$0x2]  }
0x4: {  	s3 =	srdreg.scid;
	s5 =	stileid.u32;
	s2 =	simm.s32 $0x0  }
0x5: {  	s12 =	simm.s32 $0x1770;
	s14 =	simm.s32 $0x5DC0;
	s15 =	simm.s32 $0x2  }
0x6: {  	p1 =	por $0x0, $0x0;
	s6 =	sand.u32 $0x1, s3;
	s26 =	sshll.u32 s5, $0x1  }
0x7: {  	[smem:$0x7FF] =	sst s2;
	s8 =	sadd.s32 $0x9E00, s4;
	s23 =	sadd.s32 $0x16A00, s4  }
0x8: {  	p0 =	sne.s32 s5, $0x0;
	s7 =	smul.u32 $0x2710, s6;
	s3 =	sor.u32 s6, s26  }
0x9: {  	_ =	strace $0x8000004A;
	s6 =	ssub.s32 $0x2, s6;
	s5 =	sshrl.u32 @!p0 s1, $0x3  }
0xa: {  	s9 =	smul.u32 $0x2710, s3;
	s3 =	sadd.s32 $0x14200, s4;
	s10 =	sshrl.u32 s6, $0x1  }
0xb: {  	s7 =	sadd.s32 s7, s4;
	s6 =	ssub.s32 s6, s10;
	s10 =	simm.s32 $0x1  }
0xc: {  	s9 =	sshrl.u32 s9, $0x3;
	s31 =	smax.u32 s6, $0x1;
	s6 =	simm.s32 $0x3  }
0xd: {  	s24 =	sadd.s32 s8, s9;
	s29 =	sadd.s32 $0xFA, s9;
	s28 =	sadd.s32 $0xFFFFFFFF, s31  }
0xe: {  	s22 =	sadd.s32 s4, s9;
	s11 =	sadd.s32 $0x1F4, s9;
	p2 =	sne.s32 s28, $0x0  }
.Ltmp0:
0xf: {  	s30 =	sadd.s32 $0x2EE, s9;
	s9 =	sadd.s32 $0x3E8, s9;
	(pc) =	sbr.rel @!p2 .LBB2_3-.Ltmp0, $4  }
0x10: {  	s21 =	sadd.s32 s8, s29;
	s20 =	sadd.s32 s4, s29;
	s19 =	sadd.s32 s8, s11  }
0x11: {  	s18 =	sadd.s32 s4, s11;
	s17 =	sadd.s32 s8, s30;
	s16 =	sadd.s32 s4, s30  }
0x12: {  	s13 =	sadd.s32 s8, s9;
	s11 =	sadd.s32 s4, s9;
	s4 =	sadd.s32 $0x19200, s7  }
0x13: {  	s7 =	simm.s32 $0xFA0;
	s8 =	simm.s32 $0x7D0;
	s9 =	simm.s32 $0x1F40  }
0x14: {  	s26 =	simm.s32 @!p0 $0x1C03;
	s25 =	simm.s32 @!p0 $0x3  }
0x15: {  	[spmem:s5], [sflag:s26] =	dma.local @!p0 [hbm:s23], $0x2710  }
0x16: {  	_ =	swait.ge @!p0 [sflag:s25], $0x2710  }
0x17: {  	[sflag:s25] =	ssyncset.done @!p0 $0x0  }
0x18: {  	[sflag:s25] =	ssyncadd.s32 @!p0 $0xFFFFD8F0  }
0x19: {  	[bflag:$0x0] =	sbarrier.arrive $0xFFFF  }
0x1a: {  	[tilespmem:s2], [sflag:$0x3] =	stream.linear.gather [hbm4b:s24+s2], $0x7D0, $0x38;
	[tilespmem:$0xAFC8] =	vst v63  }
0x1b: {  	_ =	swait.ge [sflag:s6], $0x7D0  }
0x1c: {  	[sflag:s6] =	ssyncset.done $0x0  }
0x1d: {  	[sflag:s6] =	ssyncadd.s32 $0xFFFFF830  }
0x1e: {  	[tilespmem:s7], [sflag:$0x3] =	stream.linear.gather [hbm4b:s22+s2], $0x7D0, $0x38;
	[tilespmem:$0xAFC8] =	vst v63  }
0x1f: {  	_ =	swait.ge [sflag:s6], $0x7D0  }
0x20: {  	[sflag:s6] =	ssyncset.done $0x0  }
0x21: {  	[sflag:s6] =	ssyncadd.s32 $0xFFFFF830  }
0x22: {  	[tilespmem:s9], [sflag:$0x1] =	stream.indirect.gather [hbm4b:s3+s8], $0x8, s2, s8, $0xb8;
	[tilespmem:$0xAFC8] =	vst v63  }
0x23: {  	_ = 	snop  }
0x24: {  	[tilespmem:s8], [sflag:$0x3] =	stream.linear.gather [hbm4b:s21+s2], $0x7D0, $0x38;
	[tilespmem:$0xAFC8] =	vst v63  }
0x25: {  	_ =	swait.ge [sflag:s6], $0x7D0  }
0x26: {  	[sflag:s6] =	ssyncset.done $0x0  }
0x27: {  	[sflag:s6] =	ssyncadd.s32 $0xFFFFF830  }
0x28: {  	[tilespmem:s12], [sflag:$0x3] =	stream.linear.gather [hbm4b:s20+s2], $0x7D0, $0x38;
	[tilespmem:$0xAFC8] =	vst v63  }
0x29: {  	_ =	swait.ge [sflag:s6], $0x7D0  }
0x2a: {  	[sflag:s6] =	ssyncset.done $0x0  }
0x2b: {  	[sflag:s6] =	ssyncadd.s32 $0xFFFFF830  }
0x2c: {  	[tilespmem:s14], [sflag:$0x2] =	stream.indirect.gather [hbm4b:s3+s8], $0x8, s8, s8, $0xb8;
	[tilespmem:$0xAFC8] =	vst v63  }
0x2d: {  	_ =	swait.ge [sflag:s10], $0x3E80  }
0x2e: {  	[sflag:s10] =	ssyncset.done $0x0  }
0x2f: {  	[sflag:s10] =	ssyncadd.s32 $0xFFFFC180  }
0x30: {  	[spmem:s1] =	stream.indirect.scatter.add.f32 [tilespmem:s9], [sflag:$0x3], $0x8, s7, s8, $0xb8;
	[tilespmem:$0xAFC8] =	vst v63  }
0x31: {  	_ =	swait.ge [sflag:s6], $0x3E80  }
0x32: {  	[sflag:s6] =	ssyncset.done $0x0  }
0x33: {  	[sflag:s6] =	ssyncadd.s32 $0xFFFFC180  }
0x34: {  	[tilespmem:s2], [sflag:$0x3] =	stream.linear.gather [hbm4b:s19+s2], $0x7D0, $0x38;
	[tilespmem:$0xAFC8] =	vst v63  }
0x35: {  	_ =	swait.ge [sflag:s6], $0x7D0  }
0x36: {  	[sflag:s6] =	ssyncset.done $0x0  }
0x37: {  	[sflag:s6] =	ssyncadd.s32 $0xFFFFF830  }
0x38: {  	[tilespmem:s7], [sflag:$0x3] =	stream.linear.gather [hbm4b:s18+s2], $0x7D0, $0x38;
	[tilespmem:$0xAFC8] =	vst v63  }
0x39: {  	_ =	swait.ge [sflag:s6], $0x7D0  }
0x3a: {  	[sflag:s6] =	ssyncset.done $0x0  }
0x3b: {  	[sflag:s6] =	ssyncadd.s32 $0xFFFFF830  }
0x3c: {  	[tilespmem:s9], [sflag:$0x1] =	stream.indirect.gather [hbm4b:s3+s8], $0x8, s2, s8, $0xb8;
	[tilespmem:$0xAFC8] =	vst v63  }
0x3d: {  	_ =	swait.ge [sflag:s15], $0x3E80  }
0x3e: {  	[sflag:s15] =	ssyncset.done $0x0  }
0x3f: {  	[sflag:s15] =	ssyncadd.s32 $0xFFFFC180  }
0x40: {  	[spmem:s1] =	stream.indirect.scatter.add.f32 [tilespmem:s14], [sflag:$0x3], $0x8, s12, s8, $0xb8;
	[tilespmem:$0xAFC8] =	vst v63  }
0x41: {  	_ =	swait.ge [sflag:s6], $0x3E80  }
0x42: {  	[sflag:s6] =	ssyncset.done $0x0  }
0x43: {  	[sflag:s6] =	ssyncadd.s32 $0xFFFFC180  }
0x44: {  	[tilespmem:s8], [sflag:$0x3] =	stream.linear.gather [hbm4b:s17+s2], $0x7D0, $0x38;
	[tilespmem:$0xAFC8] =	vst v63  }
0x45: {  	_ =	swait.ge [sflag:s6], $0x7D0  }
0x46: {  	[sflag:s6] =	ssyncset.done $0x0  }
0x47: {  	[sflag:s6] =	ssyncadd.s32 $0xFFFFF830  }
0x48: {  	[tilespmem:s12], [sflag:$0x3] =	stream.linear.gather [hbm4b:s16+s2], $0x7D0, $0x38;
	[tilespmem:$0xAFC8] =	vst v63  }
0x49: {  	_ =	swait.ge [sflag:s6], $0x7D0  }
0x4a: {  	[sflag:s6] =	ssyncset.done $0x0  }
0x4b: {  	[sflag:s6] =	ssyncadd.s32 $0xFFFFF830  }
0x4c: {  	[tilespmem:s14], [sflag:$0x2] =	stream.indirect.gather [hbm4b:s3+s8], $0x8, s8, s8, $0xb8;
	[tilespmem:$0xAFC8] =	vst v63  }
0x4d: {  	_ =	swait.ge [sflag:s10], $0x3E80  }
0x4e: {  	[sflag:s10] =	ssyncset.done $0x0  }
0x4f: {  	[sflag:s10] =	ssyncadd.s32 $0xFFFFC180  }
0x50: {  	[spmem:s1] =	stream.indirect.scatter.add.f32 [tilespmem:s9], [sflag:$0x3], $0x8, s7, s8, $0xb8;
	[tilespmem:$0xAFC8] =	vst v63  }
0x51: {  	_ =	swait.ge [sflag:s6], $0x3E80  }
0x52: {  	[sflag:s6] =	ssyncset.done $0x0  }
0x53: {  	[sflag:s6] =	ssyncadd.s32 $0xFFFFC180  }
0x54: {  	[tilespmem:s2], [sflag:$0x3] =	stream.linear.gather [hbm4b:s13+s2], $0x7D0, $0x38;
	[tilespmem:$0xAFC8] =	vst v63  }
0x55: {  	_ =	swait.ge [sflag:s6], $0x7D0  }
0x56: {  	[sflag:s6] =	ssyncset.done $0x0  }
0x57: {  	[sflag:s6] =	ssyncadd.s32 $0xFFFFF830  }
0x58: {  	[tilespmem:s7], [sflag:$0x3] =	stream.linear.gather [hbm4b:s11+s2], $0x7D0, $0x38;
	[tilespmem:$0xAFC8] =	vst v63  }
0x59: {  	_ =	swait.ge [sflag:s6], $0x7D0  }
0x5a: {  	[sflag:s6] =	ssyncset.done $0x0  }
0x5b: {  	[sflag:s6] =	ssyncadd.s32 $0xFFFFF830  }
0x5c: {  	[tilespmem:s9], [sflag:$0x1] =	stream.indirect.gather [hbm4b:s3+s8], $0x8, s2, s8, $0xb8;
	[tilespmem:$0xAFC8] =	vst v63  }
0x5d: {  	_ =	swait.ge [sflag:s15], $0x3E80  }
0x5e: {  	[sflag:s15] =	ssyncset.done $0x0  }
0x5f: {  	[sflag:s15] =	ssyncadd.s32 $0xFFFFC180  }
0x60: {  	[spmem:s1] =	stream.indirect.scatter.add.f32 [tilespmem:s14], [sflag:$0x3], $0x8, s12, s8, $0xb8;
	[tilespmem:$0xAFC8] =	vst v63  }
0x61: {  	_ =	swait.ge [sflag:s6], $0x3E80  }
0x62: {  	[sflag:s6] =	ssyncset.done $0x0  }
0x63: {  	[sflag:s6] =	ssyncadd.s32 $0xFFFFC180  }
0x64: {  	_ =	swait.ge [sflag:s10], $0x3E80  }
0x65: {  	[sflag:s10] =	ssyncset.done $0x0  }
0x66: {  	[sflag:s10] =	ssyncadd.s32 $0xFFFFC180  }
0x67: {  	[spmem:s1] =	stream.indirect.scatter.add.f32 [tilespmem:s9], [sflag:$0x3], $0x8, s7, s8, $0xb8;
	[tilespmem:$0xAFC8] =	vst v63  }
0x68: {  	s28 =	sadd.s32 $0xFFFFFFFF, s28;
	_ =	swait.ge [sflag:s6], $0x3E80  }
0x69: {  	p2 =	sne.s32 s28, $0x0;
	[sflag:s6] =	ssyncset.done $0x0  }
.Ltmp1:
0x6a: {  	[sflag:s6] =	ssyncadd.s32 $0xFFFFC180;
	(pc) =	sbr.rel @!p2 .LBB2_3-.Ltmp1, $4  }
0x6b: {  	[bflag:$0x0] =	sbarrier.arrive $0xFFFF  }
0x6c: {  	[hbm:s4], [sflag:s26] =	dma.local @!p0 [spmem:s5], $0x2710  }
0x6d: {  	_ =	swait.ge @!p0 [sflag:s25], $0x2710  }
0x6e: {  	p1 =	por $0x1, $0x1;
	[sflag:s25] =	ssyncset.done @!p0 $0x0  }
.LBB2_2:
0x6f: {  	[sflag:s25] =	ssyncadd.s32 @!p0 $0xFFFFD8F0  }
0x70: {  	[spmem:s5], [sflag:s26] =	dma.local @!p0 [hbm:s23], $0x2710  }
0x71: {  	s28 =	sadd.s32 $0xFFFFFFFF, s28;
	_ =	swait.ge @!p0 [sflag:s25], $0x2710  }
0x72: {  	p2 =	sne.s32 s28, $0x0;
	[sflag:s25] =	ssyncset.done @!p0 $0x0  }
0x73: {  	[sflag:s25] =	ssyncadd.s32 @!p0 $0xFFFFD8F0  }
0x74: {  	[bflag:$0x0] =	sbarrier.arrive $0xFFFF  }
0x75: {  	[tilespmem:s2], [sflag:$0x3] =	stream.linear.gather [hbm4b:s24+s2], $0x7D0, $0x38;
	[tilespmem:$0xAFC8] =	vst v63  }
0x76: {  	_ =	swait.ge [sflag:s6], $0x7D0  }
0x77: {  	[sflag:s6] =	ssyncset.done $0x0  }
0x78: {  	[sflag:s6] =	ssyncadd.s32 $0xFFFFF830  }
0x79: {  	[tilespmem:s7], [sflag:$0x3] =	stream.linear.gather [hbm4b:s22+s2], $0x7D0, $0x38;
	[tilespmem:$0xAFC8] =	vst v63  }
0x7a: {  	_ =	swait.ge [sflag:s6], $0x7D0  }
0x7b: {  	[sflag:s6] =	ssyncset.done $0x0  }
0x7c: {  	[sflag:s6] =	ssyncadd.s32 $0xFFFFF830  }
0x7d: {  	[tilespmem:s9], [sflag:$0x1] =	stream.indirect.gather [hbm4b:s3+s8], $0x8, s2, s8, $0xb8;
	[tilespmem:$0xAFC8] =	vst v63  }
0x7e: {  	_ = 	snop  }
0x7f: {  	[tilespmem:s8], [sflag:$0x3] =	stream.linear.gather [hbm4b:s21+s2], $0x7D0, $0x38;
	[tilespmem:$0xAFC8] =	vst v63  }
0x80: {  	_ =	swait.ge [sflag:s6], $0x7D0  }
0x81: {  	[sflag:s6] =	ssyncset.done $0x0  }
0x82: {  	[sflag:s6] =	ssyncadd.s32 $0xFFFFF830  }
0x83: {  	[tilespmem:s12], [sflag:$0x3] =	stream.linear.gather [hbm4b:s20+s2], $0x7D0, $0x38;
	[tilespmem:$0xAFC8] =	vst v63  }
0x84: {  	_ =	swait.ge [sflag:s6], $0x7D0  }
0x85: {  	[sflag:s6] =	ssyncset.done $0x0  }
0x86: {  	[sflag:s6] =	ssyncadd.s32 $0xFFFFF830  }
0x87: {  	[tilespmem:s14], [sflag:$0x2] =	stream.indirect.gather [hbm4b:s3+s8], $0x8, s8, s8, $0xb8;
	[tilespmem:$0xAFC8] =	vst v63  }
0x88: {  	_ =	swait.ge [sflag:s10], $0x3E80  }
0x89: {  	[sflag:s10] =	ssyncset.done $0x0  }
0x8a: {  	[sflag:s10] =	ssyncadd.s32 $0xFFFFC180  }
0x8b: {  	[spmem:s1] =	stream.indirect.scatter.add.f32 [tilespmem:s9], [sflag:$0x3], $0x8, s7, s8, $0xb8;
	[tilespmem:$0xAFC8] =	vst v63  }
0x8c: {  	_ =	swait.ge [sflag:s6], $0x3E80  }
0x8d: {  	[sflag:s6] =	ssyncset.done $0x0  }
0x8e: {  	[sflag:s6] =	ssyncadd.s32 $0xFFFFC180  }
0x8f: {  	[tilespmem:s2], [sflag:$0x3] =	stream.linear.gather [hbm4b:s19+s2], $0x7D0, $0x38;
	[tilespmem:$0xAFC8] =	vst v63  }
0x90: {  	_ =	swait.ge [sflag:s6], $0x7D0  }
0x91: {  	[sflag:s6] =	ssyncset.done $0x0  }
0x92: {  	[sflag:s6] =	ssyncadd.s32 $0xFFFFF830  }
0x93: {  	[tilespmem:s7], [sflag:$0x3] =	stream.linear.gather [hbm4b:s18+s2], $0x7D0, $0x38;
	[tilespmem:$0xAFC8] =	vst v63  }
0x94: {  	_ =	swait.ge [sflag:s6], $0x7D0  }
0x95: {  	[sflag:s6] =	ssyncset.done $0x0  }
0x96: {  	[sflag:s6] =	ssyncadd.s32 $0xFFFFF830  }
0x97: {  	[tilespmem:s9], [sflag:$0x1] =	stream.indirect.gather [hbm4b:s3+s8], $0x8, s2, s8, $0xb8;
	[tilespmem:$0xAFC8] =	vst v63  }
0x98: {  	_ =	swait.ge [sflag:s15], $0x3E80  }
0x99: {  	[sflag:s15] =	ssyncset.done $0x0  }
0x9a: {  	[sflag:s15] =	ssyncadd.s32 $0xFFFFC180  }
0x9b: {  	[spmem:s1] =	stream.indirect.scatter.add.f32 [tilespmem:s14], [sflag:$0x3], $0x8, s12, s8, $0xb8;
	[tilespmem:$0xAFC8] =	vst v63  }
0x9c: {  	_ =	swait.ge [sflag:s6], $0x3E80  }
0x9d: {  	[sflag:s6] =	ssyncset.done $0x0  }
0x9e: {  	[sflag:s6] =	ssyncadd.s32 $0xFFFFC180  }
0x9f: {  	[tilespmem:s8], [sflag:$0x3] =	stream.linear.gather [hbm4b:s17+s2], $0x7D0, $0x38;
	[tilespmem:$0xAFC8] =	vst v63  }
0xa0: {  	_ =	swait.ge [sflag:s6], $0x7D0  }
0xa1: {  	[sflag:s6] =	ssyncset.done $0x0  }
0xa2: {  	[sflag:s6] =	ssyncadd.s32 $0xFFFFF830  }
0xa3: {  	[tilespmem:s12], [sflag:$0x3] =	stream.linear.gather [hbm4b:s16+s2], $0x7D0, $0x38;
	[tilespmem:$0xAFC8] =	vst v63  }
0xa4: {  	_ =	swait.ge [sflag:s6], $0x7D0  }
0xa5: {  	[sflag:s6] =	ssyncset.done $0x0  }
0xa6: {  	[sflag:s6] =	ssyncadd.s32 $0xFFFFF830  }
0xa7: {  	[tilespmem:s14], [sflag:$0x2] =	stream.indirect.gather [hbm4b:s3+s8], $0x8, s8, s8, $0xb8;
	[tilespmem:$0xAFC8] =	vst v63  }
0xa8: {  	_ =	swait.ge [sflag:s10], $0x3E80  }
0xa9: {  	[sflag:s10] =	ssyncset.done $0x0  }
0xaa: {  	[sflag:s10] =	ssyncadd.s32 $0xFFFFC180  }
0xab: {  	[spmem:s1] =	stream.indirect.scatter.add.f32 [tilespmem:s9], [sflag:$0x3], $0x8, s7, s8, $0xb8;
	[tilespmem:$0xAFC8] =	vst v63  }
0xac: {  	_ =	swait.ge [sflag:s6], $0x3E80  }
0xad: {  	[sflag:s6] =	ssyncset.done $0x0  }
0xae: {  	[sflag:s6] =	ssyncadd.s32 $0xFFFFC180  }
0xaf: {  	[tilespmem:s2], [sflag:$0x3] =	stream.linear.gather [hbm4b:s13+s2], $0x7D0, $0x38;
	[tilespmem:$0xAFC8] =	vst v63  }
0xb0: {  	_ =	swait.ge [sflag:s6], $0x7D0  }
0xb1: {  	[sflag:s6] =	ssyncset.done $0x0  }
0xb2: {  	[sflag:s6] =	ssyncadd.s32 $0xFFFFF830  }
0xb3: {  	[tilespmem:s7], [sflag:$0x3] =	stream.linear.gather [hbm4b:s11+s2], $0x7D0, $0x38;
	[tilespmem:$0xAFC8] =	vst v63  }
0xb4: {  	_ =	swait.ge [sflag:s6], $0x7D0  }
0xb5: {  	[sflag:s6] =	ssyncset.done $0x0  }
0xb6: {  	[sflag:s6] =	ssyncadd.s32 $0xFFFFF830  }
0xb7: {  	[tilespmem:s9], [sflag:$0x1] =	stream.indirect.gather [hbm4b:s3+s8], $0x8, s2, s8, $0xb8;
	[tilespmem:$0xAFC8] =	vst v63  }
0xb8: {  	_ =	swait.ge [sflag:s15], $0x3E80  }
0xb9: {  	[sflag:s15] =	ssyncset.done $0x0  }
0xba: {  	[sflag:s15] =	ssyncadd.s32 $0xFFFFC180  }
0xbb: {  	[spmem:s1] =	stream.indirect.scatter.add.f32 [tilespmem:s14], [sflag:$0x3], $0x8, s12, s8, $0xb8;
	[tilespmem:$0xAFC8] =	vst v63  }
0xbc: {  	_ =	swait.ge [sflag:s6], $0x3E80  }
0xbd: {  	[sflag:s6] =	ssyncset.done $0x0  }
0xbe: {  	[sflag:s6] =	ssyncadd.s32 $0xFFFFC180  }
0xbf: {  	_ =	swait.ge [sflag:s10], $0x3E80  }
0xc0: {  	[sflag:s10] =	ssyncset.done $0x0  }
0xc1: {  	[sflag:s10] =	ssyncadd.s32 $0xFFFFC180  }
0xc2: {  	[spmem:s1] =	stream.indirect.scatter.add.f32 [tilespmem:s9], [sflag:$0x3], $0x8, s7, s8, $0xb8;
	[tilespmem:$0xAFC8] =	vst v63  }
0xc3: {  	_ =	swait.ge [sflag:s6], $0x3E80  }
0xc4: {  	[sflag:s6] =	ssyncset.done $0x0  }
.Ltmp2:
0xc5: {  	[sflag:s6] =	ssyncadd.s32 $0xFFFFC180;
	(pc) =	sbr.rel @p2 .LBB2_2-.Ltmp2, $4  }
0xc6: {  	[bflag:$0x0] =	sbarrier.arrive $0xFFFF  }
0xc7: {  	[hbm:s4], [sflag:s26] =	dma.local @!p0 [spmem:s5], $0x2710  }
0xc8: {  	_ =	swait.ge @!p0 [sflag:s25], $0x2710  }
0xc9: {  	[sflag:s25] =	ssyncset.done @!p0 $0x0  }
.LBB2_3:
0xca: {  	p1 =	por p0, !p1  }
0xcb: {  	[sflag:s25] =	ssyncadd.s32 @!p1 $0xFFFFD8F0;
	s25 =	simm.s32 @!p0 $0x1C03  }
0xcc: {  	[spmem:s5], [sflag:s25] =	dma.local @!p0 [hbm:s23], $0x2710  }
0xcd: {  	s23 =	simm.s32 @!p0 $0x3  }
0xce: {  	_ =	swait.ge @!p0 [sflag:s23], $0x2710  }
0xcf: {  	[sflag:s23] =	ssyncset.done @!p0 $0x0  }
0xd0: {  	[sflag:s23] =	ssyncadd.s32 @!p0 $0xFFFFD8F0  }
0xd1: {  	[bflag:$0x0] =	sbarrier.arrive $0xFFFF  }
0xd2: {  	[tilespmem:s2], [sflag:$0x3] =	stream.linear.gather [hbm4b:s24+s2], $0x7D0, $0x38;
	[tilespmem:$0xAFC8] =	vst v63  }
0xd3: {  	_ =	swait.ge [sflag:s6], $0x7D0  }
0xd4: {  	[sflag:s6] =	ssyncset.done $0x0  }
0xd5: {  	[sflag:s6] =	ssyncadd.s32 $0xFFFFF830  }
0xd6: {  	[tilespmem:s7], [sflag:$0x3] =	stream.linear.gather [hbm4b:s22+s2], $0x7D0, $0x38;
	[tilespmem:$0xAFC8] =	vst v63  }
0xd7: {  	_ =	swait.ge [sflag:s6], $0x7D0  }
0xd8: {  	[sflag:s6] =	ssyncset.done $0x0  }
0xd9: {  	[sflag:s6] =	ssyncadd.s32 $0xFFFFF830  }
0xda: {  	[tilespmem:s9], [sflag:$0x1] =	stream.indirect.gather [hbm4b:s3+s8], $0x8, s2, s8, $0xb8;
	[tilespmem:$0xAFC8] =	vst v63  }
0xdb: {  	_ = 	snop  }
0xdc: {  	[tilespmem:s8], [sflag:$0x3] =	stream.linear.gather [hbm4b:s21+s2], $0x7D0, $0x38;
	[tilespmem:$0xAFC8] =	vst v63  }
0xdd: {  	_ =	swait.ge [sflag:s6], $0x7D0  }
0xde: {  	[sflag:s6] =	ssyncset.done $0x0  }
0xdf: {  	[sflag:s6] =	ssyncadd.s32 $0xFFFFF830  }
0xe0: {  	[tilespmem:s12], [sflag:$0x3] =	stream.linear.gather [hbm4b:s20+s2], $0x7D0, $0x38;
	[tilespmem:$0xAFC8] =	vst v63  }
0xe1: {  	_ =	swait.ge [sflag:s6], $0x7D0  }
0xe2: {  	[sflag:s6] =	ssyncset.done $0x0  }
0xe3: {  	[sflag:s6] =	ssyncadd.s32 $0xFFFFF830  }
0xe4: {  	[tilespmem:s14], [sflag:$0x2] =	stream.indirect.gather [hbm4b:s3+s8], $0x8, s8, s8, $0xb8;
	[tilespmem:$0xAFC8] =	vst v63  }
0xe5: {  	_ =	swait.ge [sflag:s10], $0x3E80  }
0xe6: {  	[sflag:s10] =	ssyncset.done $0x0  }
0xe7: {  	[sflag:s10] =	ssyncadd.s32 $0xFFFFC180  }
0xe8: {  	[spmem:s1] =	stream.indirect.scatter.add.f32 [tilespmem:s9], [sflag:$0x3], $0x8, s7, s8, $0xb8;
	[tilespmem:$0xAFC8] =	vst v63  }
0xe9: {  	_ =	swait.ge [sflag:s6], $0x3E80  }
0xea: {  	[sflag:s6] =	ssyncset.done $0x0  }
0xeb: {  	[sflag:s6] =	ssyncadd.s32 $0xFFFFC180  }
0xec: {  	[tilespmem:s2], [sflag:$0x3] =	stream.linear.gather [hbm4b:s19+s2], $0x7D0, $0x38;
	[tilespmem:$0xAFC8] =	vst v63  }
0xed: {  	_ =	swait.ge [sflag:s6], $0x7D0  }
0xee: {  	[sflag:s6] =	ssyncset.done $0x0  }
0xef: {  	[sflag:s6] =	ssyncadd.s32 $0xFFFFF830  }
0xf0: {  	[tilespmem:s7], [sflag:$0x3] =	stream.linear.gather [hbm4b:s18+s2], $0x7D0, $0x38;
	[tilespmem:$0xAFC8] =	vst v63  }
0xf1: {  	_ =	swait.ge [sflag:s6], $0x7D0  }
0xf2: {  	[sflag:s6] =	ssyncset.done $0x0  }
0xf3: {  	[sflag:s6] =	ssyncadd.s32 $0xFFFFF830  }
0xf4: {  	[tilespmem:s9], [sflag:$0x1] =	stream.indirect.gather [hbm4b:s3+s8], $0x8, s2, s8, $0xb8;
	[tilespmem:$0xAFC8] =	vst v63  }
0xf5: {  	_ =	swait.ge [sflag:s15], $0x3E80  }
0xf6: {  	[sflag:s15] =	ssyncset.done $0x0  }
0xf7: {  	[sflag:s15] =	ssyncadd.s32 $0xFFFFC180  }
0xf8: {  	[spmem:s1] =	stream.indirect.scatter.add.f32 [tilespmem:s14], [sflag:$0x3], $0x8, s12, s8, $0xb8;
	[tilespmem:$0xAFC8] =	vst v63  }
0xf9: {  	_ =	swait.ge [sflag:s6], $0x3E80  }
0xfa: {  	[sflag:s6] =	ssyncset.done $0x0  }
0xfb: {  	[sflag:s6] =	ssyncadd.s32 $0xFFFFC180  }
0xfc: {  	[tilespmem:s8], [sflag:$0x3] =	stream.linear.gather [hbm4b:s17+s2], $0x7D0, $0x38;
	[tilespmem:$0xAFC8] =	vst v63  }
0xfd: {  	_ =	swait.ge [sflag:s6], $0x7D0  }
0xfe: {  	[sflag:s6] =	ssyncset.done $0x0  }
0xff: {  	[sflag:s6] =	ssyncadd.s32 $0xFFFFF830  }
0x100: {  	[tilespmem:s12], [sflag:$0x3] =	stream.linear.gather [hbm4b:s16+s2], $0x7D0, $0x38;
	[tilespmem:$0xAFC8] =	vst v63  }
0x101: {  	_ =	swait.ge [sflag:s6], $0x7D0  }
0x102: {  	[sflag:s6] =	ssyncset.done $0x0  }
0x103: {  	[sflag:s6] =	ssyncadd.s32 $0xFFFFF830  }
0x104: {  	[tilespmem:s14], [sflag:$0x2] =	stream.indirect.gather [hbm4b:s3+s8], $0x8, s8, s8, $0xb8;
	[tilespmem:$0xAFC8] =	vst v63  }
0x105: {  	_ =	swait.ge [sflag:s10], $0x3E80  }
0x106: {  	[sflag:s10] =	ssyncset.done $0x0  }
0x107: {  	[sflag:s10] =	ssyncadd.s32 $0xFFFFC180  }
0x108: {  	[spmem:s1] =	stream.indirect.scatter.add.f32 [tilespmem:s9], [sflag:$0x3], $0x8, s7, s8, $0xb8;
	[tilespmem:$0xAFC8] =	vst v63  }
0x109: {  	_ =	swait.ge [sflag:s6], $0x3E80  }
0x10a: {  	[sflag:s6] =	ssyncset.done $0x0  }
0x10b: {  	[sflag:s6] =	ssyncadd.s32 $0xFFFFC180  }
0x10c: {  	[tilespmem:s2], [sflag:$0x3] =	stream.linear.gather [hbm4b:s13+s2], $0x7D0, $0x38;
	[tilespmem:$0xAFC8] =	vst v63  }
0x10d: {  	_ =	swait.ge [sflag:s6], $0x7D0  }
0x10e: {  	[sflag:s6] =	ssyncset.done $0x0  }
0x10f: {  	[sflag:s6] =	ssyncadd.s32 $0xFFFFF830  }
0x110: {  	[tilespmem:s7], [sflag:$0x3] =	stream.linear.gather [hbm4b:s11+s2], $0x7D0, $0x38;
	[tilespmem:$0xAFC8] =	vst v63  }
0x111: {  	_ =	swait.ge [sflag:s6], $0x7D0  }
0x112: {  	[sflag:s6] =	ssyncset.done $0x0  }
0x113: {  	[sflag:s6] =	ssyncadd.s32 $0xFFFFF830  }
0x114: {  	[tilespmem:s9], [sflag:$0x1] =	stream.indirect.gather [hbm4b:s3+s8], $0x8, s2, s8, $0xb8;
	[tilespmem:$0xAFC8] =	vst v63  }
0x115: {  	_ =	swait.ge [sflag:s15], $0x3E80  }
0x116: {  	[sflag:s15] =	ssyncset.done $0x0  }
0x117: {  	[sflag:s15] =	ssyncadd.s32 $0xFFFFC180  }
0x118: {  	[spmem:s1] =	stream.indirect.scatter.add.f32 [tilespmem:s14], [sflag:$0x3], $0x8, s12, s8, $0xb8;
	[tilespmem:$0xAFC8] =	vst v63  }
0x119: {  	_ =	swait.ge [sflag:s6], $0x3E80  }
0x11a: {  	[sflag:s6] =	ssyncset.done $0x0  }
0x11b: {  	[sflag:s6] =	ssyncadd.s32 $0xFFFFC180  }
0x11c: {  	_ =	swait.ge [sflag:s10], $0x3E80  }
0x11d: {  	[sflag:s10] =	ssyncset.done $0x0  }
0x11e: {  	[sflag:s10] =	ssyncadd.s32 $0xFFFFC180  }
0x11f: {  	[spmem:s1] =	stream.indirect.scatter.add.f32 [tilespmem:s9], [sflag:$0x3], $0x8, s7, s8, $0xb8;
	[tilespmem:$0xAFC8] =	vst v63  }
0x120: {  	_ =	swait.ge [sflag:s6], $0x3E80  }
0x121: {  	[sflag:s6] =	ssyncset.done $0x0  }
0x122: {  	[sflag:s6] =	ssyncadd.s32 $0xFFFFC180  }
0x123: {  	[bflag:$0x0] =	sbarrier.arrive $0xFFFF  }
0x124: {  	[hbm:s4], [sflag:s25] =	dma.local @!p0 [spmem:s5], $0x2710  }
0x125: {  	_ =	swait.ge @!p0 [sflag:s23], $0x2710  }
0x126: {  	[sflag:s23] =	ssyncset.done @!p0 $0x0  }
0x127: {  	[sflag:s23] =	ssyncadd.s32 @!p0 $0xFFFFD8F0  }
0x128: {  	_ =	sfence.sel $0x180000  }
0x129: {  	[bflag:$0x0] =	sbarrier.arrive $0xFFFF  }
0x12a: {  	_ =	strace $0x9000004A  }
0x12b: {  	s0 =	sadd.s32 @!p0 $0x100000, s0;
	[bflag:$0x2] =	sbarrier.arrive $0xFFFF  }
0x12c: {  	[sflag:s0] =	ssyncadd.tile.s32 @!p0 $0x1;
	_ =	shalt  }
.Lfunc_end2:
_tile_overlayer_lowered:
.L_overlay_start_2:
0x12d: {  	(tag) =	ssettag $0x2  }
0x12e: {  	s0 =	rddreg [dreg:$0x0];
	s2 =	stileid.u32  }
0x12f: {  	s1 =	rddreg [dreg:$0x1];
	p0 =	sne.s32 s2, $0x0  }
0x130: {  	s3 =	rddreg [dreg:$0x2];
	[bflag:$0x3] =	sbarrier.arrive $0xFFFF;
	s2 =	simm.s32 @!p0 $0x1C03  }
0x131: {  	[timem:s3], [sflag:s2] =	dma.local @!p0 [hbm:s0], s1  }
0x132: {  	s0 =	simm.s32 @!p0 $0x3  }
0x133: {  	_ =	swait.ge @!p0 [sflag:s0], s1  }
0x134: {  	s1 =	ssub.s32 @!p0 $0x0, s1;
	[sflag:s0] =	ssyncset.done @!p0 $0x0  }
0x135: {  	[sflag:s0] =	ssyncadd.s32 @!p0 s1  }
0x136: {  	[bflag:$0x3] =	sbarrier.arrive $0xFFFF  }
0x137: {  	_ =	shalt  }

// kernel: kernel.14.cloned.1.call-start
scs
__scs_entry_jumppad:
0x0: {  	(pc) =	sbr.rel $0x88, $3  }
0x1: {  	(tag) =	ssettag $0x0;
	lr =	simm.s32 $0x1  }
0x2: {  	[smem:$0x3F9B] =	sst lr;
	_ =	strace $0xD0000000  }
0x3: {  	_ = 	snop  }
0x4: {  	_ = 	snop  }
0x5: {  	_ = 	snop  }
0x6: {  	_ = 	snop  }
0x7: {  	_ = 	snop  }
__scs_overlays_trampoline_lowered:
0x8: {  	[smem:$0x3FAA] =	sst s0  }
0x9: {  	[smem:$0x3FAB] =	sst s1  }
0xa: {  	[smem:$0x3FAC] =	sst s2  }
0xb: {  	[smem:$0x3FAD] =	sst s3  }
0xc: {  	[smem:$0x3FAE] =	sst s4  }
0xd: {  	[smem:$0x3FAF] =	sst s5  }
0xe: {  	[smem:$0x3FB0] =	sst s6  }
0xf: {  	[smem:$0x3FB1] =	sst s7  }
0x10: {  	[smem:$0x3FB2] =	sst s8  }
0x11: {  	[smem:$0x3FB3] =	sst s9;
	s0 =	simm.s32 @!p0 $0x0  }
0x12: {  	s1 =	sld [smem:$0x3F99];
	s0 =	simm.s32 @p0 $0x1  }
0x13: {  	[smem:$0x3FB4] =	sst s0;
	s0 =	simm.s32 @!p1 $0x0  }
0x14: {  	s2 =	sld [smem:$0x3F98];
	s0 =	simm.s32 @p1 $0x1  }
0x15: {  	[smem:$0x3FB5] =	sst s0;
	s0 =	simm.s32 @!p2 $0x0  }
0x16: {  	s3 =	sld [smem:$0x3FDB];
	s0 =	simm.s32 @p2 $0x1  }
0x17: {  	s4 =	simm.s32 $0x1BF5;
	[smem:$0x3FB7] =	sst s0  }
0x18: {  	s0 =	sld [smem:$0x3F9A];
	_ =	swait.ge [sflag:s4], $0x0  }
0x19: {  	s7 =	sld [smem:$0x3F9B]  }
0x1a: {  	s8 =	sadd.s32 $0xFFFFE003, lr  }
0x1b: {  	s9 =	sadd.s32 $0xFFFFFEF7, lr;
	s5 =	simm.s32 $0xFFFFFFFF;
	p2 =	slt.u32 s8, $0xFFFFF086  }
0x1c: {  	p1 =	slt.u32 s9, $0xF7A;
	s5 =	simm.s32 @!p2 $0x0  }
0x1d: {  	s5 =	simm.s32 @p1 $0x1;
	p0 =	seq.s32 s7, s2  }
0x1e: {  	s7 =	smul.u32 @!p0 $0xF7A, s2;
	p2 =	seq.s32 @!p0 s5, $0x0  }
0x1f: {  	s9 =	smul.u32 $0xF7A, s1;
	s8 =	simm.s32 @!p0 $0x1BF5;
	p2 =	por !p2, p0  }
0x20: {  	[sflag:s8] =	ssyncset.s32 @!p0 $0xFFFFF086;
	s6 =	sadd.s32 @!p0 s3, s7;
	s7 =	simm.s32 @!p0 $0x108  }
0x21: {  	s3 =	sadd.s32 s3, s9;
	s6 =	sadd.s32 @!p0 $0x88, s6;
	s7 =	simm.s32 @p2 $0x1082  }
0x22: {  	[simem:s7], [sflag:s8] =	dma.local @!p0 [hbm:s6], $0xF7A  }
0x23: {  	s9 =	sor.u32 $0xD0000000, s2;
	s6 =	simm.s32 $0x108;
	_ =	swait.ge @!p0 [sflag:s8], $0x0  }
0x24: {  	s3 =	sadd.s32 $0x88, s3;
	s6 =	simm.s32 @!p1 $0x1082;
	[sflag:s4] =	ssyncset.s32 $0xFFFFF086  }
0x25: {  	[simem:s6], [sflag:s4] =	dma.local [hbm:s3], $0xF7A  }
0x26: {  	[smem:$0x3F9B] =	sst s1;
	(tag) =	ssettag s2;
	_ =	strace s9  }
0x27: {  	s1 =	sld [smem:$0x3FAB]  }
0x28: {  	s2 =	sld [smem:$0x3FAC]  }
0x29: {  	s4 =	sld [smem:$0x3FAE]  }
0x2a: {  	p0 =	seq.s32 s5, $0x0;
	s5 =	sld [smem:$0x3FAF]  }
0x2b: {  	s6 =	sld [smem:$0x3FB0]  }
0x2c: {  	s7 =	sld [smem:$0x3FB1]  }
0x2d: {  	s3 =	simm.s32 $0x108;
	s8 =	sld [smem:$0x3FB2]  }
0x2e: {  	s3 =	simm.s32 @!p0 $0x1082;
	s9 =	sld [smem:$0x3FB3]  }
0x2f: {  	lr =	sadd.s32 s0, s3;
	s0 =	sld [smem:$0x3FAA]  }
0x30: {  	s3 =	sld [smem:$0x3FAD]  }
0x31: {  	[smem:$0x3FB6] =	sst s10  }
0x32: {  	s10 =	sld [smem:$0x3FB4];
	_ =	sdelay $0x3  }
0x33: {  	p0 =	seq.s32 s10, $0x1;
	s10 =	sld [smem:$0x3FB6];
	_ =	sdelay $0x3  }
0x34: {  	[smem:$0x3FB6] =	sst s10  }
0x35: {  	s10 =	sld [smem:$0x3FB5];
	_ =	sdelay $0x3  }
0x36: {  	p1 =	seq.s32 s10, $0x1;
	s10 =	sld [smem:$0x3FB6];
	_ =	sdelay $0x3  }
0x37: {  	[smem:$0x3FB6] =	sst s10  }
0x38: {  	s10 =	sld [smem:$0x3FB7]  }
0x39: {  	_ = 	snop;
	(pc) =	sbr.ind lr, $3  }
0x3a: {  	_ = 	snop  }
0x3b: {  	_ = 	snop  }
0x3c: {  	p2 =	seq.s32 s10, $0x1;
	s10 =	sld [smem:$0x3FB6]  }
0x3d: {  	_ =	shalt  }
0x3e: {  	_ =	shalt  }
0x3f: {  	_ =	shalt  }
0x40: {  	_ =	shalt  }
0x41: {  	_ =	shalt  }
0x42: {  	_ =	shalt  }
0x43: {  	_ =	shalt  }
0x44: {  	_ =	shalt  }
0x45: {  	_ =	shalt  }
0x46: {  	_ =	shalt  }
0x47: {  	_ =	shalt  }
0x48: {  	_ =	shalt  }
0x49: {  	_ =	shalt  }
0x4a: {  	_ =	shalt  }
0x4b: {  	_ =	shalt  }
0x4c: {  	_ =	shalt  }
0x4d: {  	_ =	shalt  }
0x4e: {  	_ =	shalt  }
0x4f: {  	_ =	shalt  }
0x50: {  	_ =	shalt  }
0x51: {  	_ =	shalt  }
0x52: {  	_ =	shalt  }
0x53: {  	_ =	shalt  }
0x54: {  	_ =	shalt  }
0x55: {  	_ =	shalt  }
0x56: {  	_ =	shalt  }
0x57: {  	_ =	shalt  }
0x58: {  	_ =	shalt  }
0x59: {  	_ =	shalt  }
0x5a: {  	_ =	shalt  }
0x5b: {  	_ =	shalt  }
0x5c: {  	_ =	shalt  }
0x5d: {  	_ =	shalt  }
0x5e: {  	_ =	shalt  }
0x5f: {  	_ =	shalt  }
0x60: {  	_ =	shalt  }
0x61: {  	_ =	shalt  }
0x62: {  	_ =	shalt  }
0x63: {  	_ =	shalt  }
0x64: {  	_ =	shalt  }
0x65: {  	_ =	shalt  }
0x66: {  	_ =	shalt  }
0x67: {  	_ =	shalt  }
0x68: {  	_ =	shalt  }
0x69: {  	_ =	shalt  }
0x6a: {  	_ =	shalt  }
0x6b: {  	_ =	shalt  }
0x6c: {  	_ =	shalt  }
0x6d: {  	_ =	shalt  }
0x6e: {  	_ =	shalt  }
0x6f: {  	_ =	shalt  }
0x70: {  	_ =	shalt  }
0x71: {  	_ =	shalt  }
0x72: {  	_ =	shalt  }
0x73: {  	_ =	shalt  }
0x74: {  	_ =	shalt  }
0x75: {  	_ =	shalt  }
0x76: {  	_ =	shalt  }
0x77: {  	_ =	shalt  }
0x78: {  	_ =	shalt  }
0x79: {  	_ =	shalt  }
0x7a: {  	_ =	shalt  }
0x7b: {  	_ =	shalt  }
0x7c: {  	_ =	shalt  }
0x7d: {  	_ =	shalt  }
0x7e: {  	_ =	shalt  }
0x7f: {  	_ =	shalt  }
0x80: {  	_ =	shalt  }
0x81: {  	_ =	shalt  }
0x82: {  	_ =	shalt  }
0x83: {  	_ =	shalt  }
0x84: {  	_ =	shalt  }
0x85: {  	_ =	shalt  }
0x86: {  	_ =	shalt  }
0x87: {  	_ =	shalt  }
.Lfunc_end0:
.L_simem_size_0:
called_computation.2_lowered:
.L_overlay_start_0:
0x88: {  	s2 =	sld [smem:$0x3FD9]  }
0x89: {  	s3 =	sld [smem:$0x3FFE];
	_ =	sdelay $0x1  }
0x8a: {  	s1 =	srdreg.scid  }
0x8b: {  	s0 =	sand.u32 $0x1, s1  }
0x8c: {  	s16 =	sshll.u32 s0, $0xA;
	s2 =	sadd.s32 s3, s2  }
0x8d: {  	s2 =	sadd.s32 s2, s16  }
0x8e: {  	[smem:$0x3FC2] =	sst s2  }
0x8f: {  	_ = 	snop  }
0x90: {  	(tm) =	ssettm $0x1  }
0x91: {  	s17 =	sld [smem:$0x3FFB];
	_ =	sdelay $0x3  }
0x92: {  	_ =	strace s17  }
0x93: {  	s2 =	sld [smem:$0x3FFC];
	_ =	sdelay $0x3  }
0x94: {  	_ =	strace s2  }
0x95: {  	s2 =	sld [smem:$0x3FFD];
	_ =	sdelay $0x3  }
0x96: {  	_ =	strace s2  }
0x97: {  	_ =	strace $0x8FFFFFFF  }
0x98: {  	s18 =	sld [smem:$0x3FDB];
	_ =	sdelay $0x1  }
0x99: {  	s19 =	simm.s32 $_scs_section_size  }
0x9a: {  	s4 =	simm.s32 $_size__tile_overlayer_lowered;
	s5 =	simm.s32 $_tile_overlayer_lowered  }
0x9b: {  	s22 =	simm.s32 $0x1BFF;
	s21 =	sshll.u32 s5, $0x1;
	s2 =	sadd.s32 s19, s18  }
0x9c: {  	s6 =	simm.s32 $0x0;
	s20 =	sshll.u32 s4, $0x1;
	s4 =	sadd.s32 s21, s2  }
0x9d: {  	[timem:s6], [sflag:s22] =	dma.local [hbm:s4], s20  }
0x9e: {  	_ =	swait.ge [sflag:s22], s20  }
0x9f: {  	s3 =	ssub.s32 $0x0, s20;
	[sflag:s22] =	ssyncset.done $0x0  }
0xa0: {  	[sflag:s22] =	ssyncadd.s32 s3;
	_ =	sdelay $0x1  }
0xa1: {  	s23 =	simm.s32 $0x1B8B  }
0xa2: {  	_ =	swait.ge [sflag:s23], $0x1  }
0xa3: {  	[sflag:s23] =	ssyncset.done $0x0  }
0xa4: {  	s25 =	simm.s32 $0x1B8E;
	s24 =	sld [smem:$0x3FFE];
	[sflag:s23] =	ssyncadd.s32 $0xFFFFFFFF  }
0xa5: {  	s26 =	simm.s32 $execute0_lowered;
	[smem:$0x3FD2] =	sst s25  }
0xa6: {  	s4 =	sshll.u32 s26, $0x1;
	_ =	strace $0x8000004C;
	[dreg:$0x1] =	wrdreg $0xFFFFFFFF  }
0xa7: {  	s28 =	simm.s32 $_size_execute0_lowered;
	s2 =	sadd.s32 s2, s4;
	[dreg:$0x0] =	wrdreg $0x0  }
0xa8: {  	s4 =	sshll.u32 s28, $0x1;
	[dreg:$0x2] =	wrdreg s2  }
0xa9: {  	[dreg:$0x3] =	wrdreg s4  }
0xaa: {  	[dreg:$0x4] =	wrdreg $0xC0  }
0xab: {  	_ =	task [dreg:s6], $0x5FFFF  }
0xac: {  	[dreg:$0x1] =	wrdreg $0xFFFFFFFF  }
0xad: {  	[dreg:$0x0] =	wrdreg $0x60  }
0xae: {  	[dreg:$0x2] =	wrdreg s24  }
0xaf: {  	[dreg:$0x3] =	wrdreg $0x9C400  }
0xb0: {  	[dreg:$0x4] =	wrdreg $0x9  }
0xb1: {  	_ =	task.clear_ibuf [dreg:s6], $0x5FFFF;
	_ =	strace $0x9000004C  }
0xb2: {  	s29 =	simm.s32 $0x9;
	_ =	strace $0x8000004E  }
0xb3: {  	_ =	swait.ge [sflag:s29], $0x1  }
0xb4: {  	[sflag:s29] =	ssyncadd.s32 $0xFFFFFFFF  }
0xb5: {  	_ =	strace $0x9000004E  }
0xb6: {  	_ =	sfence  }
0xb7: {  	s30 =	sld [smem:$0x0];
	_ =	sdelay $0x2  }
0xb8: {  	s31 =	sshll.u32 s1, $0xD;
	s1 =	sshrl.u32 s1, $0x2  }
0xb9: {  	s3 =	sand.u32 $0x4000, s31;
	s1 =	sadd.s32 s1, s30  }
0xba: {  	s0 =	sor.u32 s3, s0;
	s1 =	sshll.u32 s1, $0x11  }
0xbb: {  	s0 =	sor.u32 s1, s0  }
0xbc: {  	s0 =	sadd.s32 $0x8F2B, s0  }
0xbd: {  	[sflag:s0] =	ssyncadd.remote.s32 $0x1  }
0xbe: {  	_ =	sfence.sel $0xFFFF  }
0xbf: {  	[dreg:$0x0] =	wrdreg $0xFFFFFFFF;
	(pc) =	sbr.abs _section_cstart, $3  }
0xc0: {  	[dreg:$0x1] =	wrdreg $0xFFFFFFFF  }
0xc1: {  	_ =	task.clear_ibuf [dreg:s6], $0x2FFFF;
	_ =	strace $0x9FFFFFFF  }
0xc2: {  	(tm) =	ssettm $0x7FFFFFFF  }
0xc3: {  	_ =	shalt  }
tec
execute0_lowered:
.L_overlay_start_1:
0x0: {  	(tag) =	ssettag $0x1  }
0x1: {  	s6 =	rddreg [dreg:$0x0]  }
0x2: {  	s1 =	rddreg [dreg:$0x1]  }
0x3: {  	s0 =	rddreg [dreg:$0x2]  }
0x4: {  	s3 =	srdreg.scid;
	s9 =	stileid.u32;
	s2 =	simm.s32 $0x0  }
0x5: {  	s11 =	simm.s32 $0x1;
	s12 =	simm.s32 $0x2710;
	s13 =	simm.s32 $0x4E20  }
0x6: {  	s14 =	simm.s32 $0x0;
	s4 =	sand.u32 $0x1, s3;
	s31 =	sshll.u32 s9, $0x1  }
0x7: {  	[smem:$0x7FF] =	sst s2;
	p0 =	sne.s32 s9, $0x0;
	s3 =	sor.u32 s4, s31  }
0x8: {  	_ =	strace $0x8000004D;
	s7 =	smul.u32 $0x4E2, s4;
	s8 =	ssub.s32 $0x2, s4  }
0x9: {  	s4 =	sadd.s32 $0x13C00, s6;
	s9 =	sshrl.u32 @!p0 s1, $0x3;
	s5 =	smul.u32 $0x4E2, s3  }
0xa: {  	s3 =	sadd.s32 $0x14200, s6;
	s10 =	sshrl.u32 s8, $0x1;
	s7 =	sadd.s32 s7, s6  }
0xb: {  	s8 =	ssub.s32 s8, s10;
	s10 =	simm.s32 $0x7530;
	s5 =	sadd.s32 s6, s5  }
0xc: {  	s7 =	sadd.s32 $0x14800, s7;
	s8 =	smax.u32 s8, $0x1;
	s6 =	sadd.s32 $0x9E00, s5  }
.LBB2_1:
0xd: {  	s15 =	simm.s32 @!p0 $0x1C01  }
0xe: {  	[spmem:s9], [sflag:s15] =	dma.local @!p0 [hbm:s4], $0x4E2  }
0xf: {  	s15 =	simm.s32 @!p0 $0x1  }
0x10: {  	_ =	swait.ge @!p0 [sflag:s15], $0x4E2  }
0x11: {  	[sflag:s15] =	ssyncset.done @!p0 $0x0  }
0x12: {  	[sflag:s15] =	ssyncadd.s32 @!p0 $0xFFFFFB1E  }
0x13: {  	[tilespmem:s10], [sflag:$0x1] =	stream.linear.gather [hbm4b:s3+s2], $0x2710, $0x38;
	[tilespmem:$0x9EB8] =	vst v63  }
0x14: {  	_ =	swait.ge [sflag:s11], $0x2710  }
0x15: {  	[sflag:s11] =	ssyncset.done $0x0  }
0x16: {  	[sflag:s11] =	ssyncadd.s32 $0xFFFFD8F0  }
0x17: {  	[tilespmem:s2], [sflag:$0x1] =	stream.linear.gather [hbm4b:s6+s2], $0x2710, $0x38;
	[tilespmem:$0x9EB8] =	vst v63  }
0x18: {  	_ =	swait.ge [sflag:s11], $0x2710  }
0x19: {  	[sflag:s11] =	ssyncset.done $0x0  }
0x1a: {  	[sflag:s11] =	ssyncadd.s32 $0xFFFFD8F0  }
0x1b: {  	[tilespmem:s12], [sflag:$0x1] =	stream.linear.gather [hbm4b:s5+s2], $0x2710, $0x38;
	[tilespmem:$0x9EB8] =	vst v63  }
0x1c: {  	_ =	swait.ge [sflag:s11], $0x2710  }
0x1d: {  	[sflag:s11] =	ssyncset.done $0x0  }
0x1e: {  	s15 =	simm.s32 $0x0;
	[sflag:s11] =	ssyncadd.s32 $0xFFFFD8F0  }
0x1f: {  	v0 =	vld [tilespmem:s15+$0x0];
	_ =	sdelay $0x7  }
0x20: {  	s16 =	simm.s32 $0x10;
	s17 =	simm.s32 $0x80;
	v0 =	vld.idx.msk [tilespmem:v0+s10+$0x0], $0xffff  }
.LBB2_2:
0x21: {  	p1 =	sne.s32 s17, $0x9C00;
	v1 =	vld [tilespmem:s16+$0x0];
	_ =	sdelay $0x3  }
.Ltmp0:
0x22: {  	(pc) =	sbr.rel @p1 .LBB2_2-.Ltmp0, $2  }
0x23: {  	[tilespmem:s15+$0x4E20] =	vst v0;
	s15 =	smov.u32 s16;
	_ =	sdelay $0x2  }
0x24: {  	s16 =	sshra.s32 s17, $0x2;
	s17 =	sadd.s32 $0x40, s17;
	v0 =	vld.idx.msk [tilespmem:v1+s10+$0x0], $0xffff  }
0x25: {  	v1 =	vld [tilespmem:s16+$0x0];
	_ =	sdelay $0x6  }
0x26: {  	[tilespmem:s15+$0x4E20] =	vst v0  }
0x27: {  	v0 =	vld.idx.msk [tilespmem:v1+s10+$0x0], $0xffff;
	_ =	sdelay $0x4  }
0x28: {  	[tilespmem:s16+$0x4E20] =	vst v0  }
0x29: {  	[bflag:$0x0] =	sbarrier.arrive $0xFFFF  }
0x2a: {  	[spmem:s1] =	stream.indirect.scatter.add.f32 [tilespmem:s13], [sflag:$0x1], $0x1, s12, s12, $0xb8;
	[tilespmem:$0x9EB8] =	vst v63  }
0x2b: {  	_ =	swait.ge [sflag:s11], $0x2710  }
0x2c: {  	[sflag:s11] =	ssyncset.done $0x0  }
0x2d: {  	s14 =	sadd.s32 $0x1, s14;
	[sflag:s11] =	ssyncadd.s32 $0xFFFFD8F0  }
0x2e: {  	p1 =	sne.s32 s14, s8;
	s15 =	simm.s32 @!p0 $0x1C01;
	[bflag:$0x0] =	sbarrier.arrive $0xFFFF  }
0x2f: {  	[hbm:s7], [sflag:s15] =	dma.local @!p0 [spmem:s9], $0x4E2  }
.Ltmp1:
0x30: {  	_ = 	snop;
	(pc) =	sbr.rel @p1 .LBB2_1-.Ltmp1, $4  }
0x31: {  	s15 =	simm.s32 @!p0 $0x1  }
0x32: {  	_ =	swait.ge @!p0 [sflag:s15], $0x4E2  }
0x33: {  	[sflag:s15] =	ssyncset.done @!p0 $0x0  }
0x34: {  	[sflag:s15] =	ssyncadd.s32 @!p0 $0xFFFFFB1E  }
0x35: {  	_ =	sfence.sel $0x180000  }
0x36: {  	[bflag:$0x0] =	sbarrier.arrive $0xFFFF  }
0x37: {  	_ =	strace $0x9000004D  }
0x38: {  	s0 =	sadd.s32 @!p0 $0x100000, s0;
	[bflag:$0x2] =	sbarrier.arrive $0xFFFF  }
0x39: {  	[sflag:s0] =	ssyncadd.tile.s32 @!p0 $0x1;
	_ =	shalt  }
.Lfunc_end2:
_tile_overlayer_lowered:
.L_overlay_start_2:
0x3a: {  	(tag) =	ssettag $0x2  }
0x3b: {  	s0 =	rddreg [dreg:$0x0];
	s2 =	stileid.u32  }
0x3c: {  	s1 =	rddreg [dreg:$0x1];
	p0 =	sne.s32 s2, $0x0  }
0x3d: {  	s3 =	rddreg [dreg:$0x2];
	[bflag:$0x3] =	sbarrier.arrive $0xFFFF;
	s2 =	simm.s32 @!p0 $0x1C01  }
0x3e: {  	[timem:s3], [sflag:s2] =	dma.local @!p0 [hbm:s0], s1  }
0x3f: {  	s0 =	simm.s32 @!p0 $0x1  }
0x40: {  	_ =	swait.ge @!p0 [sflag:s0], s1  }
0x41: {  	s1 =	ssub.s32 @!p0 $0x0, s1;
	[sflag:s0] =	ssyncset.done @!p0 $0x0  }
0x42: {  	[sflag:s0] =	ssyncadd.s32 @!p0 s1  }
0x43: {  	[bflag:$0x3] =	sbarrier.arrive $0xFFFF  }
0x44: {  	_ =	shalt  }

// kernel: kernel.8.cloned.1.call-start
scs
__scs_entry_jumppad:
0x0: {  	(pc) =	sbr.rel $0x88, $3  }
0x1: {  	(tag) =	ssettag $0x0;
	lr =	simm.s32 $0x1  }
0x2: {  	[smem:$0x3F9B] =	sst lr;
	_ =	strace $0xD0000000  }
0x3: {  	_ = 	snop  }
0x4: {  	_ = 	snop  }
0x5: {  	_ = 	snop  }
0x6: {  	_ = 	snop  }
0x7: {  	_ = 	snop  }
__scs_overlays_trampoline_lowered:
0x8: {  	[smem:$0x3FAA] =	sst s0  }
0x9: {  	[smem:$0x3FAB] =	sst s1  }
0xa: {  	[smem:$0x3FAC] =	sst s2  }
0xb: {  	[smem:$0x3FAD] =	sst s3  }
0xc: {  	[smem:$0x3FAE] =	sst s4  }
0xd: {  	[smem:$0x3FAF] =	sst s5  }
0xe: {  	[smem:$0x3FB0] =	sst s6  }
0xf: {  	[smem:$0x3FB1] =	sst s7  }
0x10: {  	[smem:$0x3FB2] =	sst s8  }
0x11: {  	[smem:$0x3FB3] =	sst s9;
	s0 =	simm.s32 @!p0 $0x0  }
0x12: {  	s1 =	sld [smem:$0x3F99];
	s0 =	simm.s32 @p0 $0x1  }
0x13: {  	[smem:$0x3FB4] =	sst s0;
	s0 =	simm.s32 @!p1 $0x0  }
0x14: {  	s2 =	sld [smem:$0x3F98];
	s0 =	simm.s32 @p1 $0x1  }
0x15: {  	[smem:$0x3FB5] =	sst s0;
	s0 =	simm.s32 @!p2 $0x0  }
0x16: {  	s3 =	sld [smem:$0x3FDB];
	s0 =	simm.s32 @p2 $0x1  }
0x17: {  	s4 =	simm.s32 $0x1BF5;
	[smem:$0x3FB7] =	sst s0  }
0x18: {  	s0 =	sld [smem:$0x3F9A];
	_ =	swait.ge [sflag:s4], $0x0  }
0x19: {  	s7 =	sld [smem:$0x3F9B]  }
0x1a: {  	s8 =	sadd.s32 $0xFFFFE003, lr  }
0x1b: {  	s9 =	sadd.s32 $0xFFFFFEF7, lr;
	s5 =	simm.s32 $0xFFFFFFFF;
	p2 =	slt.u32 s8, $0xFFFFF086  }
0x1c: {  	p1 =	slt.u32 s9, $0xF7A;
	s5 =	simm.s32 @!p2 $0x0  }
0x1d: {  	s5 =	simm.s32 @p1 $0x1;
	p0 =	seq.s32 s7, s2  }
0x1e: {  	s7 =	smul.u32 @!p0 $0xF7A, s2;
	p2 =	seq.s32 @!p0 s5, $0x0  }
0x1f: {  	s9 =	smul.u32 $0xF7A, s1;
	s8 =	simm.s32 @!p0 $0x1BF5;
	p2 =	por !p2, p0  }
0x20: {  	[sflag:s8] =	ssyncset.s32 @!p0 $0xFFFFF086;
	s6 =	sadd.s32 @!p0 s3, s7;
	s7 =	simm.s32 @!p0 $0x108  }
0x21: {  	s3 =	sadd.s32 s3, s9;
	s6 =	sadd.s32 @!p0 $0x88, s6;
	s7 =	simm.s32 @p2 $0x1082  }
0x22: {  	[simem:s7], [sflag:s8] =	dma.local @!p0 [hbm:s6], $0xF7A  }
0x23: {  	s9 =	sor.u32 $0xD0000000, s2;
	s6 =	simm.s32 $0x108;
	_ =	swait.ge @!p0 [sflag:s8], $0x0  }
0x24: {  	s3 =	sadd.s32 $0x88, s3;
	s6 =	simm.s32 @!p1 $0x1082;
	[sflag:s4] =	ssyncset.s32 $0xFFFFF086  }
0x25: {  	[simem:s6], [sflag:s4] =	dma.local [hbm:s3], $0xF7A  }
0x26: {  	[smem:$0x3F9B] =	sst s1;
	(tag) =	ssettag s2;
	_ =	strace s9  }
0x27: {  	s1 =	sld [smem:$0x3FAB]  }
0x28: {  	s2 =	sld [smem:$0x3FAC]  }
0x29: {  	s4 =	sld [smem:$0x3FAE]  }
0x2a: {  	p0 =	seq.s32 s5, $0x0;
	s5 =	sld [smem:$0x3FAF]  }
0x2b: {  	s6 =	sld [smem:$0x3FB0]  }
0x2c: {  	s7 =	sld [smem:$0x3FB1]  }
0x2d: {  	s3 =	simm.s32 $0x108;
	s8 =	sld [smem:$0x3FB2]  }
0x2e: {  	s3 =	simm.s32 @!p0 $0x1082;
	s9 =	sld [smem:$0x3FB3]  }
0x2f: {  	lr =	sadd.s32 s0, s3;
	s0 =	sld [smem:$0x3FAA]  }
0x30: {  	s3 =	sld [smem:$0x3FAD]  }
0x31: {  	[smem:$0x3FB6] =	sst s10  }
0x32: {  	s10 =	sld [smem:$0x3FB4];
	_ =	sdelay $0x3  }
0x33: {  	p0 =	seq.s32 s10, $0x1;
	s10 =	sld [smem:$0x3FB6];
	_ =	sdelay $0x3  }
0x34: {  	[smem:$0x3FB6] =	sst s10  }
0x35: {  	s10 =	sld [smem:$0x3FB5];
	_ =	sdelay $0x3  }
0x36: {  	p1 =	seq.s32 s10, $0x1;
	s10 =	sld [smem:$0x3FB6];
	_ =	sdelay $0x3  }
0x37: {  	[smem:$0x3FB6] =	sst s10  }
0x38: {  	s10 =	sld [smem:$0x3FB7]  }
0x39: {  	_ = 	snop;
	(pc) =	sbr.ind lr, $3  }
0x3a: {  	_ = 	snop  }
0x3b: {  	_ = 	snop  }
0x3c: {  	p2 =	seq.s32 s10, $0x1;
	s10 =	sld [smem:$0x3FB6]  }
0x3d: {  	_ =	shalt  }
0x3e: {  	_ =	shalt  }
0x3f: {  	_ =	shalt  }
0x40: {  	_ =	shalt  }
0x41: {  	_ =	shalt  }
0x42: {  	_ =	shalt  }
0x43: {  	_ =	shalt  }
0x44: {  	_ =	shalt  }
0x45: {  	_ =	shalt  }
0x46: {  	_ =	shalt  }
0x47: {  	_ =	shalt  }
0x48: {  	_ =	shalt  }
0x49: {  	_ =	shalt  }
0x4a: {  	_ =	shalt  }
0x4b: {  	_ =	shalt  }
0x4c: {  	_ =	shalt  }
0x4d: {  	_ =	shalt  }
0x4e: {  	_ =	shalt  }
0x4f: {  	_ =	shalt  }
0x50: {  	_ =	shalt  }
0x51: {  	_ =	shalt  }
0x52: {  	_ =	shalt  }
0x53: {  	_ =	shalt  }
0x54: {  	_ =	shalt  }
0x55: {  	_ =	shalt  }
0x56: {  	_ =	shalt  }
0x57: {  	_ =	shalt  }
0x58: {  	_ =	shalt  }
0x59: {  	_ =	shalt  }
0x5a: {  	_ =	shalt  }
0x5b: {  	_ =	shalt  }
0x5c: {  	_ =	shalt  }
0x5d: {  	_ =	shalt  }
0x5e: {  	_ =	shalt  }
0x5f: {  	_ =	shalt  }
0x60: {  	_ =	shalt  }
0x61: {  	_ =	shalt  }
0x62: {  	_ =	shalt  }
0x63: {  	_ =	shalt  }
0x64: {  	_ =	shalt  }
0x65: {  	_ =	shalt  }
0x66: {  	_ =	shalt  }
0x67: {  	_ =	shalt  }
0x68: {  	_ =	shalt  }
0x69: {  	_ =	shalt  }
0x6a: {  	_ =	shalt  }
0x6b: {  	_ =	shalt  }
0x6c: {  	_ =	shalt  }
0x6d: {  	_ =	shalt  }
0x6e: {  	_ =	shalt  }
0x6f: {  	_ =	shalt  }
0x70: {  	_ =	shalt  }
0x71: {  	_ =	shalt  }
0x72: {  	_ =	shalt  }
0x73: {  	_ =	shalt  }
0x74: {  	_ =	shalt  }
0x75: {  	_ =	shalt  }
0x76: {  	_ =	shalt  }
0x77: {  	_ =	shalt  }
0x78: {  	_ =	shalt  }
0x79: {  	_ =	shalt  }
0x7a: {  	_ =	shalt  }
0x7b: {  	_ =	shalt  }
0x7c: {  	_ =	shalt  }
0x7d: {  	_ =	shalt  }
0x7e: {  	_ =	shalt  }
0x7f: {  	_ =	shalt  }
0x80: {  	_ =	shalt  }
0x81: {  	_ =	shalt  }
0x82: {  	_ =	shalt  }
0x83: {  	_ =	shalt  }
0x84: {  	_ =	shalt  }
0x85: {  	_ =	shalt  }
0x86: {  	_ =	shalt  }
0x87: {  	_ =	shalt  }
.Lfunc_end0:
.L_simem_size_0:
called_computation_lowered:
.L_overlay_start_0:
0x88: {  	s2 =	sld [smem:$0x3FD9]  }
0x89: {  	s3 =	sld [smem:$0x3FFE];
	_ =	sdelay $0x1  }
0x8a: {  	s1 =	srdreg.scid  }
0x8b: {  	s0 =	sand.u32 $0x1, s1  }
0x8c: {  	s16 =	sshll.u32 s0, $0xA;
	s2 =	sadd.s32 s3, s2  }
0x8d: {  	s2 =	sadd.s32 s2, s16  }
0x8e: {  	[smem:$0x3FC2] =	sst s2  }
0x8f: {  	_ = 	snop  }
0x90: {  	(tm) =	ssettm $0x1  }
0x91: {  	s17 =	sld [smem:$0x3FFB];
	_ =	sdelay $0x3  }
0x92: {  	_ =	strace s17  }
0x93: {  	s2 =	sld [smem:$0x3FFC];
	_ =	sdelay $0x3  }
0x94: {  	_ =	strace s2  }
0x95: {  	s2 =	sld [smem:$0x3FFD];
	_ =	sdelay $0x3  }
0x96: {  	_ =	strace s2  }
0x97: {  	_ =	strace $0x8FFFFFFF  }
0x98: {  	s18 =	sld [smem:$0x3FDB];
	_ =	sdelay $0x1  }
0x99: {  	s19 =	simm.s32 $_scs_section_size  }
0x9a: {  	s4 =	simm.s32 $_size__tile_overlayer_lowered;
	s5 =	simm.s32 $_tile_overlayer_lowered  }
0x9b: {  	s22 =	simm.s32 $0x1BFF;
	s21 =	sshll.u32 s5, $0x1;
	s2 =	sadd.s32 s19, s18  }
0x9c: {  	s6 =	simm.s32 $0x0;
	s20 =	sshll.u32 s4, $0x1;
	s4 =	sadd.s32 s21, s2  }
0x9d: {  	[timem:s6], [sflag:s22] =	dma.local [hbm:s4], s20  }
0x9e: {  	_ =	swait.ge [sflag:s22], s20  }
0x9f: {  	s3 =	ssub.s32 $0x0, s20;
	[sflag:s22] =	ssyncset.done $0x0  }
0xa0: {  	[sflag:s22] =	ssyncadd.s32 s3;
	_ =	sdelay $0x1  }
0xa1: {  	s23 =	simm.s32 $0x1B8B  }
0xa2: {  	_ =	swait.ge [sflag:s23], $0x1  }
0xa3: {  	[sflag:s23] =	ssyncset.done $0x0  }
0xa4: {  	s25 =	simm.s32 $0x1B8E;
	s24 =	sld [smem:$0x3FFE];
	[sflag:s23] =	ssyncadd.s32 $0xFFFFFFFF  }
0xa5: {  	s26 =	simm.s32 $execute0_lowered;
	[smem:$0x3FD2] =	sst s25  }
0xa6: {  	s4 =	sshll.u32 s26, $0x1;
	_ =	strace $0x80000046;
	[dreg:$0x1] =	wrdreg $0xFFFFFFFF  }
0xa7: {  	s28 =	simm.s32 $_size_execute0_lowered;
	s2 =	sadd.s32 s2, s4;
	[dreg:$0x0] =	wrdreg $0x0  }
0xa8: {  	s4 =	sshll.u32 s28, $0x1;
	[dreg:$0x2] =	wrdreg s2  }
0xa9: {  	[dreg:$0x3] =	wrdreg s4  }
0xaa: {  	[dreg:$0x4] =	wrdreg $0xC0  }
0xab: {  	_ =	task [dreg:s6], $0x5FFFF  }
0xac: {  	[dreg:$0x1] =	wrdreg $0xFFFFFFFF  }
0xad: {  	[dreg:$0x0] =	wrdreg $0x60  }
0xae: {  	[dreg:$0x2] =	wrdreg s24  }
0xaf: {  	[dreg:$0x3] =	wrdreg $0x4E200  }
0xb0: {  	[dreg:$0x4] =	wrdreg $0x9  }
0xb1: {  	_ =	task.clear_ibuf [dreg:s6], $0x5FFFF;
	_ =	strace $0x90000046  }
0xb2: {  	s29 =	simm.s32 $0x9;
	_ =	strace $0x80000048  }
0xb3: {  	_ =	swait.ge [sflag:s29], $0x1  }
0xb4: {  	[sflag:s29] =	ssyncadd.s32 $0xFFFFFFFF  }
0xb5: {  	_ =	strace $0x90000048  }
0xb6: {  	_ =	sfence  }
0xb7: {  	s30 =	sld [smem:$0x0];
	_ =	sdelay $0x2  }
0xb8: {  	s31 =	sshll.u32 s1, $0xD;
	s1 =	sshrl.u32 s1, $0x2  }
0xb9: {  	s3 =	sand.u32 $0x4000, s31;
	s1 =	sadd.s32 s1, s30  }
0xba: {  	s0 =	sor.u32 s3, s0;
	s1 =	sshll.u32 s1, $0x11  }
0xbb: {  	s0 =	sor.u32 s1, s0  }
0xbc: {  	s0 =	sadd.s32 $0x8F2B, s0  }
0xbd: {  	[sflag:s0] =	ssyncadd.remote.s32 $0x1  }
0xbe: {  	_ =	sfence.sel $0xFFFF  }
0xbf: {  	[dreg:$0x0] =	wrdreg $0xFFFFFFFF;
	(pc) =	sbr.abs _section_cstart, $3  }
0xc0: {  	[dreg:$0x1] =	wrdreg $0xFFFFFFFF  }
0xc1: {  	_ =	task.clear_ibuf [dreg:s6], $0x2FFFF;
	_ =	strace $0x9FFFFFFF  }
0xc2: {  	(tm) =	ssettm $0x7FFFFFFF  }
0xc3: {  	_ =	shalt  }
tec
execute0_lowered:
.L_overlay_start_1:
0x0: {  	(tag) =	ssettag $0x1  }
0x1: {  	s4 =	srdreg.scid  }
0x2: {  	s4 =	sand.u32 $0x1, s4  }
0x3: {  	s6 =	ssub.s32 $0x2, s4  }
0x4: {  	s3 =	rddreg [dreg:$0x0];
	s9 =	sshrl.u32 s6, $0x1  }
0x5: {  	s1 =	rddreg [dreg:$0x1];
	s6 =	ssub.s32 s6, s9  }
0x6: {  	s0 =	rddreg [dreg:$0x2];
	s6 =	smax.u32 s6, $0x1  }
0x7: {  	s2 =	simm.s32 $0x0;
	s5 =	stileid.u32;
	s12 =	sadd.s32 $0xFFFFFFFF, s6  }
0x8: {  	s7 =	sshll.u32 s5, $0x1;
	s8 =	smul.u32 $0x4E2, s4;
	p2 =	sne.s32 s12, $0x0  }
.Ltmp0:
0x9: {  	p1 =	por $0x0, $0x0;
	s7 =	sor.u32 s4, s7;
	(pc) =	sbr.rel @!p2 .LBB2_3-.Ltmp0, $4  }
0xa: {  	[smem:$0x7FF] =	sst s2;
	p0 =	sne.s32 s5, $0x0;
	s7 =	smul.u32 $0x4E2, s7  }
0xb: {  	_ =	strace $0x80000047;
	s4 =	sadd.s32 $0x14200, s3;
	s5 =	sshrl.u32 @!p0 s1, $0x3  }
0xc: {  	s9 =	sadd.s32 $0x13C00, s3;
	s10 =	sadd.s32 s8, s3;
	s8 =	sadd.s32 s3, s7  }
0xd: {  	s3 =	sadd.s32 $0x14800, s10;
	s7 =	simm.s32 $0x2710;
	s6 =	simm.s32 $0x1  }
0xe: {  	s11 =	simm.s32 @!p0 $0x1C01;
	s10 =	simm.s32 @!p0 $0x1  }
0xf: {  	[spmem:s5], [sflag:s11] =	dma.local @!p0 [hbm:s9], $0x4E2  }
0x10: {  	_ =	swait.ge @!p0 [sflag:s10], $0x4E2  }
0x11: {  	[sflag:s10] =	ssyncset.done @!p0 $0x0  }
0x12: {  	[sflag:s10] =	ssyncadd.s32 @!p0 $0xFFFFFB1E  }
0x13: {  	[tilespmem:s2], [sflag:$0x1] =	stream.linear.gather [hbm4b:s8+s2], $0x2710, $0x38;
	[tilespmem:$0x5098] =	vst v63  }
0x14: {  	_ =	swait.ge [sflag:s6], $0x2710  }
0x15: {  	[sflag:s6] =	ssyncset.done $0x0  }
0x16: {  	[sflag:s6] =	ssyncadd.s32 $0xFFFFD8F0  }
0x17: {  	[tilespmem:s7], [sflag:$0x1] =	stream.linear.gather [hbm4b:s4+s2], $0x2710, $0x38;
	[tilespmem:$0x5098] =	vst v63  }
0x18: {  	_ =	swait.ge [sflag:s6], $0x2710  }
0x19: {  	[sflag:s6] =	ssyncset.done $0x0  }
0x1a: {  	[sflag:s6] =	ssyncadd.s32 $0xFFFFD8F0  }
0x1b: {  	[bflag:$0x0] =	sbarrier.arrive $0xFFFF  }
0x1c: {  	[spmem:s1] =	stream.indirect.scatter.add.f32 [tilespmem:s7], [sflag:$0x1], $0x1, s2, s7, $0xb8;
	[tilespmem:$0x5098] =	vst v63  }
0x1d: {  	s12 =	sadd.s32 $0xFFFFFFFF, s12;
	_ =	swait.ge [sflag:s6], $0x2710  }
0x1e: {  	p2 =	sne.s32 s12, $0x0;
	[sflag:s6] =	ssyncset.done $0x0  }
.Ltmp1:
0x1f: {  	[sflag:s6] =	ssyncadd.s32 $0xFFFFD8F0;
	(pc) =	sbr.rel @!p2 .LBB2_3-.Ltmp1, $4  }
0x20: {  	[bflag:$0x0] =	sbarrier.arrive $0xFFFF  }
0x21: {  	[hbm:s3], [sflag:s11] =	dma.local @!p0 [spmem:s5], $0x4E2  }
0x22: {  	_ =	swait.ge @!p0 [sflag:s10], $0x4E2  }
0x23: {  	p1 =	por $0x1, $0x1;
	[sflag:s10] =	ssyncset.done @!p0 $0x0  }
.LBB2_2:
0x24: {  	[sflag:s10] =	ssyncadd.s32 @!p0 $0xFFFFFB1E  }
0x25: {  	[spmem:s5], [sflag:s11] =	dma.local @!p0 [hbm:s9], $0x4E2  }
0x26: {  	s12 =	sadd.s32 $0xFFFFFFFF, s12;
	_ =	swait.ge @!p0 [sflag:s10], $0x4E2  }
0x27: {  	p2 =	sne.s32 s12, $0x0;
	[sflag:s10] =	ssyncset.done @!p0 $0x0  }
0x28: {  	[sflag:s10] =	ssyncadd.s32 @!p0 $0xFFFFFB1E  }
0x29: {  	[tilespmem:s2], [sflag:$0x1] =	stream.linear.gather [hbm4b:s8+s2], $0x2710, $0x38;
	[tilespmem:$0x5098] =	vst v63  }
0x2a: {  	_ =	swait.ge [sflag:s6], $0x2710  }
0x2b: {  	[sflag:s6] =	ssyncset.done $0x0  }
0x2c: {  	[sflag:s6] =	ssyncadd.s32 $0xFFFFD8F0  }
0x2d: {  	[tilespmem:s7], [sflag:$0x1] =	stream.linear.gather [hbm4b:s4+s2], $0x2710, $0x38;
	[tilespmem:$0x5098] =	vst v63  }
0x2e: {  	_ =	swait.ge [sflag:s6], $0x2710  }
0x2f: {  	[sflag:s6] =	ssyncset.done $0x0  }
0x30: {  	[sflag:s6] =	ssyncadd.s32 $0xFFFFD8F0  }
0x31: {  	[bflag:$0x0] =	sbarrier.arrive $0xFFFF  }
0x32: {  	[spmem:s1] =	stream.indirect.scatter.add.f32 [tilespmem:s7], [sflag:$0x1], $0x1, s2, s7, $0xb8;
	[tilespmem:$0x5098] =	vst v63  }
0x33: {  	_ =	swait.ge [sflag:s6], $0x2710  }
0x34: {  	[sflag:s6] =	ssyncset.done $0x0  }
.Ltmp2:
0x35: {  	[sflag:s6] =	ssyncadd.s32 $0xFFFFD8F0;
	(pc) =	sbr.rel @p2 .LBB2_2-.Ltmp2, $4  }
0x36: {  	[bflag:$0x0] =	sbarrier.arrive $0xFFFF  }
0x37: {  	[hbm:s3], [sflag:s11] =	dma.local @!p0 [spmem:s5], $0x4E2  }
0x38: {  	_ =	swait.ge @!p0 [sflag:s10], $0x4E2  }
0x39: {  	[sflag:s10] =	ssyncset.done @!p0 $0x0  }
.LBB2_3:
0x3a: {  	p1 =	por p0, !p1  }
0x3b: {  	s11 =	simm.s32 @!p0 $0x1C01;
	s12 =	simm.s32 @!p0 $0x1;
	[sflag:s10] =	ssyncadd.s32 @!p1 $0xFFFFFB1E  }
0x3c: {  	[spmem:s5], [sflag:s11] =	dma.local @!p0 [hbm:s9], $0x4E2  }
0x3d: {  	_ =	swait.ge @!p0 [sflag:s12], $0x4E2  }
0x3e: {  	[sflag:s12] =	ssyncset.done @!p0 $0x0  }
0x3f: {  	[sflag:s12] =	ssyncadd.s32 @!p0 $0xFFFFFB1E  }
0x40: {  	[tilespmem:s2], [sflag:$0x1] =	stream.linear.gather [hbm4b:s8+s2], $0x2710, $0x38;
	[tilespmem:$0x5098] =	vst v63  }
0x41: {  	_ =	swait.ge [sflag:s6], $0x2710  }
0x42: {  	[sflag:s6] =	ssyncset.done $0x0  }
0x43: {  	[sflag:s6] =	ssyncadd.s32 $0xFFFFD8F0  }
0x44: {  	[tilespmem:s7], [sflag:$0x1] =	stream.linear.gather [hbm4b:s4+s2], $0x2710, $0x38;
	[tilespmem:$0x5098] =	vst v63  }
0x45: {  	_ =	swait.ge [sflag:s6], $0x2710  }
0x46: {  	[sflag:s6] =	ssyncset.done $0x0  }
0x47: {  	[sflag:s6] =	ssyncadd.s32 $0xFFFFD8F0  }
0x48: {  	[bflag:$0x0] =	sbarrier.arrive $0xFFFF  }
0x49: {  	[spmem:s1] =	stream.indirect.scatter.add.f32 [tilespmem:s7], [sflag:$0x1], $0x1, s2, s7, $0xb8;
	[tilespmem:$0x5098] =	vst v63  }
0x4a: {  	_ =	swait.ge [sflag:s6], $0x2710  }
0x4b: {  	[sflag:s6] =	ssyncset.done $0x0  }
0x4c: {  	[sflag:s6] =	ssyncadd.s32 $0xFFFFD8F0  }
0x4d: {  	[bflag:$0x0] =	sbarrier.arrive $0xFFFF  }
0x4e: {  	[hbm:s3], [sflag:s11] =	dma.local @!p0 [spmem:s5], $0x4E2  }
0x4f: {  	_ =	swait.ge @!p0 [sflag:s12], $0x4E2  }
0x50: {  	[sflag:s12] =	ssyncset.done @!p0 $0x0  }
0x51: {  	[sflag:s12] =	ssyncadd.s32 @!p0 $0xFFFFFB1E  }
0x52: {  	_ =	sfence.sel $0x180000  }
0x53: {  	[bflag:$0x0] =	sbarrier.arrive $0xFFFF  }
0x54: {  	_ =	strace $0x90000047  }
0x55: {  	s0 =	sadd.s32 @!p0 $0x100000, s0;
	[bflag:$0x2] =	sbarrier.arrive $0xFFFF  }
0x56: {  	[sflag:s0] =	ssyncadd.tile.s32 @!p0 $0x1;
	_ =	shalt  }
.Lfunc_end2:
_tile_overlayer_lowered:
.L_overlay_start_2:
0x57: {  	(tag) =	ssettag $0x2  }
0x58: {  	s0 =	rddreg [dreg:$0x0];
	s2 =	stileid.u32  }
0x59: {  	s1 =	rddreg [dreg:$0x1];
	p0 =	sne.s32 s2, $0x0  }
0x5a: {  	s3 =	rddreg [dreg:$0x2];
	[bflag:$0x3] =	sbarrier.arrive $0xFFFF;
	s2 =	simm.s32 @!p0 $0x1C01  }
0x5b: {  	[timem:s3], [sflag:s2] =	dma.local @!p0 [hbm:s0], s1  }
0x5c: {  	s0 =	simm.s32 @!p0 $0x1  }
0x5d: {  	_ =	swait.ge @!p0 [sflag:s0], s1  }
0x5e: {  	s1 =	ssub.s32 @!p0 $0x0, s1;
	[sflag:s0] =	ssyncset.done @!p0 $0x0  }
0x5f: {  	[sflag:s0] =	ssyncadd.s32 @!p0 s1  }
0x60: {  	[bflag:$0x3] =	sbarrier.arrive $0xFFFF  }
0x61: {  	_ =	shalt  }

</sc_bundles>
